<compile_context>
chip_gen: v7x
topology: tpu7x:2x2x1
jax: 0.10.2.dev20260603
libtpu: 0.0.44.dev20260713+nightly
codegen_flags: <defaults>
</compile_context>

<pallas_src>
import numpy as np
import jax
import jax.numpy as jnp
from jax import lax
from jax.experimental import pallas as pl
from jax.experimental.pallas import tpu as pltpu
from jax.experimental.pallas import tpu_sc as plsc
VOCAB = 1000000
D_MODEL = 64
SEQ_LEN = 200

_NC = 2
_NS = 16
_B_PER_W = 8
_N_ACTIVE = SEQ_LEN // _B_PER_W
_NBUF = 8
_LAST_FULL_BASE = (VOCAB // 128 - 1) * 128
_TAIL_BASE = (VOCAB // 128) * 128
_TAIL_W = VOCAB - _TAIL_BASE


def _pe_table():
    pos = np.arange(SEQ_LEN, dtype=np.float32)[:, None]
    i = np.arange(D_MODEL, dtype=np.float32)[None, :]
    angle_rates = 1.0 / np.power(10000.0, (2.0 * np.floor(i / 2.0)) / D_MODEL)
    angles = pos * angle_rates
    pe = np.zeros((SEQ_LEN, D_MODEL), dtype=np.float32)
    pe[:, 0::2] = np.sin(angles[:, 0::2])
    pe[:, 1::2] = np.cos(angles[:, 1::2])
    return pe


_PE_FLAT = np.ascontiguousarray(_pe_table().reshape(-1))


def _sc_body(tt_hbm, idx_hbm, pe_hbm, out_hbm,
             idx_v, slabs_v, tail_v, rows_v, pe_v,
             sem0, sem1, sem2, sem3, sem4, sem5, sem6, sem7,
             sem_pe, sem_tail):
    wid = lax.axis_index("s") * _NC + lax.axis_index("c")
    sems = (sem0, sem1, sem2, sem3, sem4, sem5, sem6, sem7)

    @pl.when(wid < _N_ACTIVE)
    def _():
        base = wid * _B_PER_W
        pltpu.sync_copy(idx_hbm.at[pl.ds(base, _B_PER_W)],
                        idx_v.at[pl.ds(0, _B_PER_W)])
        iv = idx_v[...]
        lane_bases = jnp.minimum((iv >> 7) << 7, _LAST_FULL_BASE)
        cols = jnp.minimum(iv - lane_bases, 127)
        tcols = jnp.clip(iv - _TAIL_BASE, 0, _TAIL_W - 1)

        pe_copy = pltpu.async_copy(
            pe_hbm.at[pl.ds(base * D_MODEL, _B_PER_W * D_MODEL)], pe_v,
            sem_pe)
        tail_copy = pltpu.async_copy(
            tt_hbm.at[:, pl.ds(_TAIL_BASE, _TAIL_W)], tail_v, sem_tail)

        def fire(r):
            b = r % _NBUF
            return pltpu.async_copy(
                tt_hbm.at[:, pl.ds(pl.multiple_of(lane_bases[r], 128), 128)],
                slabs_v.at[b], sems[b])

        fetch = [fire(r) for r in range(_B_PER_W)]
        pe_copy.wait()
        for r in range(_B_PER_W):
            b = r % _NBUF
            fetch[r].wait()
            col = jnp.full((16,), cols[r], dtype=jnp.int32)
            for k in range(0, D_MODEL, 16):
                d_idx = lax.iota(jnp.int32, 16) + k
                gathered = plsc.load_gather(slabs_v.at[b], [d_idx, col])
                rows_v[r, pl.ds(k, 16)] = (
                    gathered + pe_v[pl.ds(r * D_MODEL + k, 16)]
                )
        tail_copy.wait()
        for r in range(_B_PER_W):
            @pl.when(iv[r] >= _TAIL_BASE)
            def _fix(r=r):
                tcol = jnp.full((16,), tcols[r], dtype=jnp.int32)
                for k in range(0, D_MODEL, 16):
                    d_idx = lax.iota(jnp.int32, 16) + k
                    gathered = plsc.load_gather(tail_v, [d_idx, tcol])
                    rows_v[r, pl.ds(k, 16)] = (
                        gathered + pe_v[pl.ds(r * D_MODEL + k, 16)]
                    )
        pltpu.sync_copy(rows_v, out_hbm.at[0, pl.ds(base, _B_PER_W)])


def _kernel_impl(x, table, pe):
    tt = jnp.swapaxes(table, 0, 1)
    mesh = plsc.VectorSubcoreMesh(core_axis_name="c", subcore_axis_name="s")
    k = pl.kernel(
        _sc_body,
        mesh=mesh,
        out_type=jax.ShapeDtypeStruct((1, SEQ_LEN, D_MODEL), jnp.float32),
        scratch_types=[
            pltpu.VMEM((16,), jnp.int32),
            pltpu.VMEM((_NBUF, D_MODEL, 128), jnp.float32),
            pltpu.VMEM((D_MODEL, _TAIL_W), jnp.float32),
            pltpu.VMEM((_B_PER_W, D_MODEL), jnp.float32),
            pltpu.VMEM((_B_PER_W * D_MODEL,), jnp.float32),
        ] + [pltpu.SemaphoreType.DMA] * 10,
        compiler_params=pltpu.CompilerParams(needs_layout_passes=False),
    )
    return k(tt, x.astype(jnp.int32), pe)


def kernel(x, table):
    return _kernel_impl(x, table, jnp.asarray(_PE_FLAT))

# --- scband reference (transcript-rebuilt; emitter-appended) ---
"""Pipeline reference for scband-embedding-1159641169957 (READ-ONLY COPY).

The authoritative reference and input builder live on the scoring server;
editing this copy changes nothing except your own understanding.
"""

import jax, jax.numpy as jnp
import numpy as np

VOCAB = 1000000
D_MODEL = 64
SEQ_LEN = 200


def _positional_encoding(seq_length, d_model):
    pos = np.arange(seq_length, dtype=np.float32)[:, None]
    i = np.arange(d_model, dtype=np.float32)[None, :]
    angle_rates = 1.0 / np.power(10000.0, (2.0 * np.floor(i / 2.0)) / d_model)
    angles = pos * angle_rates
    pe = np.zeros((seq_length, d_model), dtype=np.float32)
    pe[:, 0::2] = np.sin(angles[:, 0::2])
    pe[:, 1::2] = np.cos(angles[:, 1::2])
    return jnp.asarray(pe)


def setup_inputs(seed: int = 0) -> dict:
    key = jax.random.key(seed)
    k1, k2 = jax.random.split(key)
    x = jax.random.randint(k1, (SEQ_LEN,), 0, VOCAB)
    table = jax.random.normal(k2, (VOCAB, D_MODEL), dtype=jnp.float32)
    return {"x": x, "table": table}


def reference(x, table):
    # nn.Embedding lookup -> gather rows from table
    emb = jnp.take(table, x, axis=0)  # [SEQ_LEN, D_MODEL]
    # reshape(1, seq_length, -1) as in the torch forward
    emb = emb.reshape(1, SEQ_LEN, -1)
    # PositionalEncoder: add sinusoidal positional encoding
    pe = _positional_encoding(SEQ_LEN, D_MODEL)
    out = emb + pe[None, :, :]
    # dropout p=0.0 (eval mode) -> identity
    return out

if __name__ == "__main__":
    import jax
    _d = setup_inputs()
    print(jax.jit(kernel)(*tuple(_d.values())))

</pallas_src>

<mosaic_0001>
#map = affine_map<(d0, d1) -> (0, 0)>
#map1 = affine_map<(d0, d1) -> (0)>
#map2 = affine_map<(d0, d1) -> (0, 0, 0)>
module attributes {stable_mosaic.version = 14 : i64} {
  func.func @_sc_body(%arg0: i32, %arg1: i32, %arg2: memref<64x1000000xf32, #tpu.memory_space<hbm>>, %arg3: memref<200xi32, #tpu.memory_space<hbm>>, %arg4: memref<12800xf32, #tpu.memory_space<hbm>>, %arg5: memref<1x200x64xf32, #tpu.memory_space<hbm>>, %arg6: memref<16xi32, #tpu.memory_space<vmem>>, %arg7: memref<8x64x128xf32, #tpu.memory_space<vmem>>, %arg8: memref<64x64xf32, #tpu.memory_space<vmem>>, %arg9: memref<8x64xf32, #tpu.memory_space<vmem>>, %arg10: memref<512xf32, #tpu.memory_space<vmem>>, %arg11: memref<!tpu.dma_semaphore, #tpu.memory_space<semaphore_mem>>, %arg12: memref<!tpu.dma_semaphore, #tpu.memory_space<semaphore_mem>>, %arg13: memref<!tpu.dma_semaphore, #tpu.memory_space<semaphore_mem>>, %arg14: memref<!tpu.dma_semaphore, #tpu.memory_space<semaphore_mem>>, %arg15: memref<!tpu.dma_semaphore, #tpu.memory_space<semaphore_mem>>, %arg16: memref<!tpu.dma_semaphore, #tpu.memory_space<semaphore_mem>>, %arg17: memref<!tpu.dma_semaphore, #tpu.memory_space<semaphore_mem>>, %arg18: memref<!tpu.dma_semaphore, #tpu.memory_space<semaphore_mem>>, %arg19: memref<!tpu.dma_semaphore, #tpu.memory_space<semaphore_mem>>, %arg20: memref<!tpu.dma_semaphore, #tpu.memory_space<semaphore_mem>>) attributes {dimension_semantics = [#tpu.dimension_semantics<core_parallel>, #tpu.dimension_semantics<subcore_parallel>], iteration_bounds = array<i64: 2, 16>, scalar_prefetch = 0 : i64, scratch_operands = 15 : i64, tpu.core_type = #tpu.core_type<sc_vector_subcore>, window_params = [{transform_indices = #map}, {transform_indices = #map1}, {transform_indices = #map1}, {transform_indices = #map2}]} {
    %mul3A = arith.constant 2 : i32
    %mul3A_0 = arith.muli %arg1, %mul3A : i32
    %add3A = arith.addi %mul3A_0, %arg0 : i32
    %lt3A = arith.constant 25 : i32
    %lt3A_1 = arith.cmpi slt, %add3A, %lt3A : i32
    %convert_element_type3A = arith.extui %lt3A_1 : i1 to i32
    %cond3A = arith.constant 0 : i32
    %cond3A_2 = arith.cmpi ne, %convert_element_type3A, %cond3A : i32
    scf.if %cond3A_2 {
      %mul3A_3 = arith.constant 8 : i32
      %mul3A_4 = arith.muli %add3A, %mul3A_3 : i32
      "tpu.region"() ({
        %run_scoped3A_886 = tpu.sem_alloc : memref<!tpu.dma_semaphore, #tpu.memory_space<semaphore_mem>>
        %dma_start3A_887 = arith.constant 0 : i32
        %dma_start3A_888 = tpu.memref_slice %arg6[%dma_start3A_887] : memref<16xi32, #tpu.memory_space<vmem>> -> memref<8xi32, #tpu.memory_space<vmem>>
        %dma_start3A_889 = tpu.memref_slice %arg3[%mul3A_4] : memref<200xi32, #tpu.memory_space<hbm>> -> memref<8xi32, #tpu.memory_space<hbm>>
        %dma_start3A_890 = arith.constant 0 : i32
        %dma_start3A_891 = tpu.memref_slice %arg6[%dma_start3A_890] : memref<16xi32, #tpu.memory_space<vmem>> -> memref<8xi32, #tpu.memory_space<vmem>>
        %dma_start3A_892 = tpu.memref_slice %arg3[%mul3A_4] : memref<200xi32, #tpu.memory_space<hbm>> -> memref<8xi32, #tpu.memory_space<hbm>>
        tpu.enqueue_dma source(%dma_start3A_892 : memref<8xi32, #tpu.memory_space<hbm>>) target(%dma_start3A_891 : memref<8xi32, #tpu.memory_space<vmem>>) target_semaphore(%run_scoped3A_886 : memref<!tpu.dma_semaphore, #tpu.memory_space<semaphore_mem>>)
        %dma_wait3A_893 = arith.constant 0 : i32
        %dma_wait3A_894 = tpu.memref_slice %arg6[%dma_wait3A_893] : memref<16xi32, #tpu.memory_space<vmem>> -> memref<8xi32, #tpu.memory_space<vmem>>
        %dma_wait3A_895 = tpu.memref_slice %arg3[%mul3A_4] : memref<200xi32, #tpu.memory_space<hbm>> -> memref<8xi32, #tpu.memory_space<hbm>>
        %dma_wait3A_896 = arith.constant 0 : i32
        %dma_wait3A_897 = tpu.memref_slice %arg6[%dma_wait3A_896] : memref<16xi32, #tpu.memory_space<vmem>> -> memref<8xi32, #tpu.memory_space<vmem>>
        %dma_wait3A_898 = tpu.memref_slice %arg3[%mul3A_4] : memref<200xi32, #tpu.memory_space<hbm>> -> memref<8xi32, #tpu.memory_space<hbm>>
        tpu.wait_dma2 semaphore(%run_scoped3A_886 : memref<!tpu.dma_semaphore, #tpu.memory_space<semaphore_mem>>) src(%dma_wait3A_898 : memref<8xi32, #tpu.memory_space<hbm>>) dst(%dma_wait3A_897 : memref<8xi32, #tpu.memory_space<vmem>>)
        tpu.yield
      }) : () -> ()
      %get3A = arith.constant 0 : index
      %get3A_5 = tpu.vector_load %arg6[%get3A] {strides = array<i32>} : memref<16xi32, #tpu.memory_space<vmem>>, vector<16xi32>,
      %shift_right_arithmetic3A = arith.constant 7 : i32
      %shift_right_arithmetic3A_6 = vector.broadcast %shift_right_arithmetic3A : i32 to vector<16xi32>
      %shift_right_arithmetic3A_7 = arith.shrsi %get3A_5, %shift_right_arithmetic3A_6 : vector<16xi32>
      %shift_left3A = arith.constant 7 : i32
      %shift_left3A_8 = vector.broadcast %shift_left3A : i32 to vector<16xi32>
      %shift_left3A_9 = arith.shli %shift_right_arithmetic3A_7, %shift_left3A_8 : vector<16xi32>
      %min3A = arith.constant 999808 : i32
      %min3A_10 = vector.broadcast %min3A : i32 to vector<16xi32>
      %min3A_11 = arith.minsi %shift_left3A_9, %min3A_10 : vector<16xi32>
      %sub3A = arith.subi %get3A_5, %min3A_11 : vector<16xi32>
      %min3A_12 = arith.constant 127 : i32
      %min3A_13 = vector.broadcast %min3A_12 : i32 to vector<16xi32>
      %min3A_14 = arith.minsi %sub3A, %min3A_13 : vector<16xi32>
      %sub3A_15 = arith.constant 999936 : i32
      %sub3A_16 = vector.broadcast %sub3A_15 : i32 to vector<16xi32>
      %sub3A_17 = arith.subi %get3A_5, %sub3A_16 : vector<16xi32>
      %jit3A = arith.constant 0 : i32
      %jit3A_18 = arith.constant 63 : i32
      %max3A = vector.broadcast %jit3A : i32 to vector<16xi32>
      %max3A_19 = arith.maxsi %max3A, %sub3A_17 : vector<16xi32>
      %min3A_20 = vector.broadcast %jit3A_18 : i32 to vector<16xi32>
      %min3A_21 = arith.minsi %min3A_20, %max3A_19 : vector<16xi32>
      %mul3A_22 = arith.constant 64 : i32
      %mul3A_23 = arith.muli %mul3A_4, %mul3A_22 : i32
      %dma_start3A = tpu.memref_slice %arg4[%mul3A_23] : memref<12800xf32, #tpu.memory_space<hbm>> -> memref<512xf32, #tpu.memory_space<hbm>>
      %dma_start3A_24 = tpu.memref_slice %arg4[%mul3A_23] : memref<12800xf32, #tpu.memory_space<hbm>> -> memref<512xf32, #tpu.memory_space<hbm>>
      tpu.enqueue_dma source(%dma_start3A_24 : memref<512xf32, #tpu.memory_space<hbm>>) target(%arg10 : memref<512xf32, #tpu.memory_space<vmem>>) target_semaphore(%arg19 : memref<!tpu.dma_semaphore, #tpu.memory_space<semaphore_mem>>)
      %dma_start3A_25 = arith.constant 0 : i32
      %dma_start3A_26 = arith.constant 999936 : i32
      %dma_start3A_27 = tpu.memref_slice %arg2[%dma_start3A_25, %dma_start3A_26] : memref<64x1000000xf32, #tpu.memory_space<hbm>> -> memref<64x64xf32, #tpu.memory_space<hbm>>
      %dma_start3A_28 = arith.constant 0 : i32
      %dma_start3A_29 = arith.constant 999936 : i32
      %dma_start3A_30 = tpu.memref_slice %arg2[%dma_start3A_28, %dma_start3A_29] : memref<64x1000000xf32, #tpu.memory_space<hbm>> -> memref<64x64xf32, #tpu.memory_space<hbm>>
      tpu.enqueue_dma source(%dma_start3A_30 : memref<64x64xf32, #tpu.memory_space<hbm>>) target(%arg8 : memref<64x64xf32, #tpu.memory_space<vmem>>) target_semaphore(%arg20 : memref<!tpu.dma_semaphore, #tpu.memory_space<semaphore_mem>>)
      %slice3A = vector.extract_strided_slice %min3A_11 {offsets = [0], sizes = [1], strides = [1]} : vector<16xi32> to vector<1xi32>
      %squeeze3A = vector.extract %slice3A[0] : i32 from vector<1xi32>
      %multiple_of3A = tpu.assume_multiple %squeeze3A, 128 : i32
      %dma_start3A_31 = arith.constant 0 : i32
      %dma_start3A_32 = arith.constant 0 : i32
      %dma_start3A_33 = arith.constant 0 : i32
      %dma_start3A_34 = tpu.memref_slice %arg7[%dma_start3A_31, %dma_start3A_32, %dma_start3A_33] : memref<8x64x128xf32, #tpu.memory_space<vmem>> -> memref<1x64x128xf32, #tpu.memory_space<vmem>>
      %dma_start3A_35 = tpu.memref_squeeze %dma_start3A_34 : memref<1x64x128xf32, #tpu.memory_space<vmem>> -> memref<64x128xf32, #tpu.memory_space<vmem>>
      %dma_start3A_36 = arith.constant 0 : i32
      %dma_start3A_37 = tpu.memref_slice %arg2[%dma_start3A_36, %multiple_of3A] : memref<64x1000000xf32, #tpu.memory_space<hbm>> -> memref<64x128xf32, #tpu.memory_space<hbm>>
      %dma_start3A_38 = arith.constant 0 : i32
      %dma_start3A_39 = arith.constant 0 : i32
      %dma_start3A_40 = tpu.memref_slice %arg7[%dma_start3A_31, %dma_start3A_38, %dma_start3A_39] : memref<8x64x128xf32, #tpu.memory_space<vmem>> -> memref<1x64x128xf32, #tpu.memory_space<vmem>>
      %dma_start3A_41 = tpu.memref_squeeze %dma_start3A_40 : memref<1x64x128xf32, #tpu.memory_space<vmem>> -> memref<64x128xf32, #tpu.memory_space<vmem>>
      %dma_start3A_42 = arith.constant 0 : i32
      %dma_start3A_43 = tpu.memref_slice %arg2[%dma_start3A_42, %multiple_of3A] : memref<64x1000000xf32, #tpu.memory_space<hbm>> -> memref<64x128xf32, #tpu.memory_space<hbm>>
      tpu.enqueue_dma source(%dma_start3A_43 : memref<64x128xf32, #tpu.memory_space<hbm>>) target(%dma_start3A_41 : memref<64x128xf32, #tpu.memory_space<vmem>>) target_semaphore(%arg11 : memref<!tpu.dma_semaphore, #tpu.memory_space<semaphore_mem>>)
      %slice3A_44 = vector.extract_strided_slice %min3A_11 {offsets = [1], sizes = [1], strides = [1]} : vector<16xi32> to vector<1xi32>
      %squeeze3A_45 = vector.extract %slice3A_44[0] : i32 from vector<1xi32>
      %multiple_of3A_46 = tpu.assume_multiple %squeeze3A_45, 128 : i32
      %dma_start3A_47 = arith.constant 1 : i32
      %dma_start3A_48 = arith.constant 0 : i32
      %dma_start3A_49 = arith.constant 0 : i32
      %dma_start3A_50 = tpu.memref_slice %arg7[%dma_start3A_47, %dma_start3A_48, %dma_start3A_49] : memref<8x64x128xf32, #tpu.memory_space<vmem>> -> memref<1x64x128xf32, #tpu.memory_space<vmem>>
      %dma_start3A_51 = tpu.memref_squeeze %dma_start3A_50 : memref<1x64x128xf32, #tpu.memory_space<vmem>> -> memref<64x128xf32, #tpu.memory_space<vmem>>
      %dma_start3A_52 = arith.constant 0 : i32
      %dma_start3A_53 = tpu.memref_slice %arg2[%dma_start3A_52, %multiple_of3A_46] : memref<64x1000000xf32, #tpu.memory_space<hbm>> -> memref<64x128xf32, #tpu.memory_space<hbm>>
      %dma_start3A_54 = arith.constant 0 : i32
      %dma_start3A_55 = arith.constant 0 : i32
      %dma_start3A_56 = tpu.memref_slice %arg7[%dma_start3A_47, %dma_start3A_54, %dma_start3A_55] : memref<8x64x128xf32, #tpu.memory_space<vmem>> -> memref<1x64x128xf32, #tpu.memory_space<vmem>>
      %dma_start3A_57 = tpu.memref_squeeze %dma_start3A_56 : memref<1x64x128xf32, #tpu.memory_space<vmem>> -> memref<64x128xf32, #tpu.memory_space<vmem>>
      %dma_start3A_58 = arith.constant 0 : i32
      %dma_start3A_59 = tpu.memref_slice %arg2[%dma_start3A_58, %multiple_of3A_46] : memref<64x1000000xf32, #tpu.memory_space<hbm>> -> memref<64x128xf32, #tpu.memory_space<hbm>>
      tpu.enqueue_dma source(%dma_start3A_59 : memref<64x128xf32, #tpu.memory_space<hbm>>) target(%dma_start3A_57 : memref<64x128xf32, #tpu.memory_space<vmem>>) target_semaphore(%arg12 : memref<!tpu.dma_semaphore, #tpu.memory_space<semaphore_mem>>)
      %slice3A_60 = vector.extract_strided_slice %min3A_11 {offsets = [2], sizes = [1], strides = [1]} : vector<16xi32> to vector<1xi32>
      %squeeze3A_61 = vector.extract %slice3A_60[0] : i32 from vector<1xi32>
      %multiple_of3A_62 = tpu.assume_multiple %squeeze3A_61, 128 : i32
      %dma_start3A_63 = arith.constant 2 : i32
      %dma_start3A_64 = arith.constant 0 : i32
      %dma_start3A_65 = arith.constant 0 : i32
      %dma_start3A_66 = tpu.memref_slice %arg7[%dma_start3A_63, %dma_start3A_64, %dma_start3A_65] : memref<8x64x128xf32, #tpu.memory_space<vmem>> -> memref<1x64x128xf32, #tpu.memory_space<vmem>>
      %dma_start3A_67 = tpu.memref_squeeze %dma_start3A_66 : memref<1x64x128xf32, #tpu.memory_space<vmem>> -> memref<64x128xf32, #tpu.memory_space<vmem>>
      %dma_start3A_68 = arith.constant 0 : i32
      %dma_start3A_69 = tpu.memref_slice %arg2[%dma_start3A_68, %multiple_of3A_62] : memref<64x1000000xf32, #tpu.memory_space<hbm>> -> memref<64x128xf32, #tpu.memory_space<hbm>>
      %dma_start3A_70 = arith.constant 0 : i32
      %dma_start3A_71 = arith.constant 0 : i32
      %dma_start3A_72 = tpu.memref_slice %arg7[%dma_start3A_63, %dma_start3A_70, %dma_start3A_71] : memref<8x64x128xf32, #tpu.memory_space<vmem>> -> memref<1x64x128xf32, #tpu.memory_space<vmem>>
      %dma_start3A_73 = tpu.memref_squeeze %dma_start3A_72 : memref<1x64x128xf32, #tpu.memory_space<vmem>> -> memref<64x128xf32, #tpu.memory_space<vmem>>
      %dma_start3A_74 = arith.constant 0 : i32
      %dma_start3A_75 = tpu.memref_slice %arg2[%dma_start3A_74, %multiple_of3A_62] : memref<64x1000000xf32, #tpu.memory_space<hbm>> -> memref<64x128xf32, #tpu.memory_space<hbm>>
      tpu.enqueue_dma source(%dma_start3A_75 : memref<64x128xf32, #tpu.memory_space<hbm>>) target(%dma_start3A_73 : memref<64x128xf32, #tpu.memory_space<vmem>>) target_semaphore(%arg13 : memref<!tpu.dma_semaphore, #tpu.memory_space<semaphore_mem>>)
      %slice3A_76 = vector.extract_strided_slice %min3A_11 {offsets = [3], sizes = [1], strides = [1]} : vector<16xi32> to vector<1xi32>
      %squeeze3A_77 = vector.extract %slice3A_76[0] : i32 from vector<1xi32>
      %multiple_of3A_78 = tpu.assume_multiple %squeeze3A_77, 128 : i32
      %dma_start3A_79 = arith.constant 3 : i32
      %dma_start3A_80 = arith.constant 0 : i32
      %dma_start3A_81 = arith.constant 0 : i32
      %dma_start3A_82 = tpu.memref_slice %arg7[%dma_start3A_79, %dma_start3A_80, %dma_start3A_81] : memref<8x64x128xf32, #tpu.memory_space<vmem>> -> memref<1x64x128xf32, #tpu.memory_space<vmem>>
      %dma_start3A_83 = tpu.memref_squeeze %dma_start3A_82 : memref<1x64x128xf32, #tpu.memory_space<vmem>> -> memref<64x128xf32, #tpu.memory_space<vmem>>
      %dma_start3A_84 = arith.constant 0 : i32
      %dma_start3A_85 = tpu.memref_slice %arg2[%dma_start3A_84, %multiple_of3A_78] : memref<64x1000000xf32, #tpu.memory_space<hbm>> -> memref<64x128xf32, #tpu.memory_space<hbm>>
      %dma_start3A_86 = arith.constant 0 : i32
      %dma_start3A_87 = arith.constant 0 : i32
      %dma_start3A_88 = tpu.memref_slice %arg7[%dma_start3A_79, %dma_start3A_86, %dma_start3A_87] : memref<8x64x128xf32, #tpu.memory_space<vmem>> -> memref<1x64x128xf32, #tpu.memory_space<vmem>>
      %dma_start3A_89 = tpu.memref_squeeze %dma_start3A_88 : memref<1x64x128xf32, #tpu.memory_space<vmem>> -> memref<64x128xf32, #tpu.memory_space<vmem>>
      %dma_start3A_90 = arith.constant 0 : i32
      %dma_start3A_91 = tpu.memref_slice %arg2[%dma_start3A_90, %multiple_of3A_78] : memref<64x1000000xf32, #tpu.memory_space<hbm>> -> memref<64x128xf32, #tpu.memory_space<hbm>>
      tpu.enqueue_dma source(%dma_start3A_91 : memref<64x128xf32, #tpu.memory_space<hbm>>) target(%dma_start3A_89 : memref<64x128xf32, #tpu.memory_space<vmem>>) target_semaphore(%arg14 : memref<!tpu.dma_semaphore, #tpu.memory_space<semaphore_mem>>)
      %slice3A_92 = vector.extract_strided_slice %min3A_11 {offsets = [4], sizes = [1], strides = [1]} : vector<16xi32> to vector<1xi32>
      %squeeze3A_93 = vector.extract %slice3A_92[0] : i32 from vector<1xi32>
      %multiple_of3A_94 = tpu.assume_multiple %squeeze3A_93, 128 : i32
      %dma_start3A_95 = arith.constant 4 : i32
      %dma_start3A_96 = arith.constant 0 : i32
      %dma_start3A_97 = arith.constant 0 : i32
      %dma_start3A_98 = tpu.memref_slice %arg7[%dma_start3A_95, %dma_start3A_96, %dma_start3A_97] : memref<8x64x128xf32, #tpu.memory_space<vmem>> -> memref<1x64x128xf32, #tpu.memory_space<vmem>>
      %dma_start3A_99 = tpu.memref_squeeze %dma_start3A_98 : memref<1x64x128xf32, #tpu.memory_space<vmem>> -> memref<64x128xf32, #tpu.memory_space<vmem>>
      %dma_start3A_100 = arith.constant 0 : i32
      %dma_start3A_101 = tpu.memref_slice %arg2[%dma_start3A_100, %multiple_of3A_94] : memref<64x1000000xf32, #tpu.memory_space<hbm>> -> memref<64x128xf32, #tpu.memory_space<hbm>>
      %dma_start3A_102 = arith.constant 0 : i32
      %dma_start3A_103 = arith.constant 0 : i32
      %dma_start3A_104 = tpu.memref_slice %arg7[%dma_start3A_95, %dma_start3A_102, %dma_start3A_103] : memref<8x64x128xf32, #tpu.memory_space<vmem>> -> memref<1x64x128xf32, #tpu.memory_space<vmem>>
      %dma_start3A_105 = tpu.memref_squeeze %dma_start3A_104 : memref<1x64x128xf32, #tpu.memory_space<vmem>> -> memref<64x128xf32, #tpu.memory_space<vmem>>
      %dma_start3A_106 = arith.constant 0 : i32
      %dma_start3A_107 = tpu.memref_slice %arg2[%dma_start3A_106, %multiple_of3A_94] : memref<64x1000000xf32, #tpu.memory_space<hbm>> -> memref<64x128xf32, #tpu.memory_space<hbm>>
      tpu.enqueue_dma source(%dma_start3A_107 : memref<64x128xf32, #tpu.memory_space<hbm>>) target(%dma_start3A_105 : memref<64x128xf32, #tpu.memory_space<vmem>>) target_semaphore(%arg15 : memref<!tpu.dma_semaphore, #tpu.memory_space<semaphore_mem>>)
      %slice3A_108 = vector.extract_strided_slice %min3A_11 {offsets = [5], sizes = [1], strides = [1]} : vector<16xi32> to vector<1xi32>
      %squeeze3A_109 = vector.extract %slice3A_108[0] : i32 from vector<1xi32>
      %multiple_of3A_110 = tpu.assume_multiple %squeeze3A_109, 128 : i32
      %dma_start3A_111 = arith.constant 5 : i32
      %dma_start3A_112 = arith.constant 0 : i32
      %dma_start3A_113 = arith.constant 0 : i32
      %dma_start3A_114 = tpu.memref_slice %arg7[%dma_start3A_111, %dma_start3A_112, %dma_start3A_113] : memref<8x64x128xf32, #tpu.memory_space<vmem>> -> memref<1x64x128xf32, #tpu.memory_space<vmem>>
      %dma_start3A_115 = tpu.memref_squeeze %dma_start3A_114 : memref<1x64x128xf32, #tpu.memory_space<vmem>> -> memref<64x128xf32, #tpu.memory_space<vmem>>
      %dma_start3A_116 = arith.constant 0 : i32
      %dma_start3A_117 = tpu.memref_slice %arg2[%dma_start3A_116, %multiple_of3A_110] : memref<64x1000000xf32, #tpu.memory_space<hbm>> -> memref<64x128xf32, #tpu.memory_space<hbm>>
      %dma_start3A_118 = arith.constant 0 : i32
      %dma_start3A_119 = arith.constant 0 : i32
      %dma_start3A_120 = tpu.memref_slice %arg7[%dma_start3A_111, %dma_start3A_118, %dma_start3A_119] : memref<8x64x128xf32, #tpu.memory_space<vmem>> -> memref<1x64x128xf32, #tpu.memory_space<vmem>>
      %dma_start3A_121 = tpu.memref_squeeze %dma_start3A_120 : memref<1x64x128xf32, #tpu.memory_space<vmem>> -> memref<64x128xf32, #tpu.memory_space<vmem>>
      %dma_start3A_122 = arith.constant 0 : i32
      %dma_start3A_123 = tpu.memref_slice %arg2[%dma_start3A_122, %multiple_of3A_110] : memref<64x1000000xf32, #tpu.memory_space<hbm>> -> memref<64x128xf32, #tpu.memory_space<hbm>>
      tpu.enqueue_dma source(%dma_start3A_123 : memref<64x128xf32, #tpu.memory_space<hbm>>) target(%dma_start3A_121 : memref<64x128xf32, #tpu.memory_space<vmem>>) target_semaphore(%arg16 : memref<!tpu.dma_semaphore, #tpu.memory_space<semaphore_mem>>)
      %slice3A_124 = vector.extract_strided_slice %min3A_11 {offsets = [6], sizes = [1], strides = [1]} : vector<16xi32> to vector<1xi32>
      %squeeze3A_125 = vector.extract %slice3A_124[0] : i32 from vector<1xi32>
      %multiple_of3A_126 = tpu.assume_multiple %squeeze3A_125, 128 : i32
      %dma_start3A_127 = arith.constant 6 : i32
      %dma_start3A_128 = arith.constant 0 : i32
      %dma_start3A_129 = arith.constant 0 : i32
      %dma_start3A_130 = tpu.memref_slice %arg7[%dma_start3A_127, %dma_start3A_128, %dma_start3A_129] : memref<8x64x128xf32, #tpu.memory_space<vmem>> -> memref<1x64x128xf32, #tpu.memory_space<vmem>>
      %dma_start3A_131 = tpu.memref_squeeze %dma_start3A_130 : memref<1x64x128xf32, #tpu.memory_space<vmem>> -> memref<64x128xf32, #tpu.memory_space<vmem>>
      %dma_start3A_132 = arith.constant 0 : i32
      %dma_start3A_133 = tpu.memref_slice %arg2[%dma_start3A_132, %multiple_of3A_126] : memref<64x1000000xf32, #tpu.memory_space<hbm>> -> memref<64x128xf32, #tpu.memory_space<hbm>>
      %dma_start3A_134 = arith.constant 0 : i32
      %dma_start3A_135 = arith.constant 0 : i32
      %dma_start3A_136 = tpu.memref_slice %arg7[%dma_start3A_127, %dma_start3A_134, %dma_start3A_135] : memref<8x64x128xf32, #tpu.memory_space<vmem>> -> memref<1x64x128xf32, #tpu.memory_space<vmem>>
      %dma_start3A_137 = tpu.memref_squeeze %dma_start3A_136 : memref<1x64x128xf32, #tpu.memory_space<vmem>> -> memref<64x128xf32, #tpu.memory_space<vmem>>
      %dma_start3A_138 = arith.constant 0 : i32
      %dma_start3A_139 = tpu.memref_slice %arg2[%dma_start3A_138, %multiple_of3A_126] : memref<64x1000000xf32, #tpu.memory_space<hbm>> -> memref<64x128xf32, #tpu.memory_space<hbm>>
      tpu.enqueue_dma source(%dma_start3A_139 : memref<64x128xf32, #tpu.memory_space<hbm>>) target(%dma_start3A_137 : memref<64x128xf32, #tpu.memory_space<vmem>>) target_semaphore(%arg17 : memref<!tpu.dma_semaphore, #tpu.memory_space<semaphore_mem>>)
      %slice3A_140 = vector.extract_strided_slice %min3A_11 {offsets = [7], sizes = [1], strides = [1]} : vector<16xi32> to vector<1xi32>
      %squeeze3A_141 = vector.extract %slice3A_140[0] : i32 from vector<1xi32>
      %multiple_of3A_142 = tpu.assume_multiple %squeeze3A_141, 128 : i32
      %dma_start3A_143 = arith.constant 7 : i32
      %dma_start3A_144 = arith.constant 0 : i32
      %dma_start3A_145 = arith.constant 0 : i32
      %dma_start3A_146 = tpu.memref_slice %arg7[%dma_start3A_143, %dma_start3A_144, %dma_start3A_145] : memref<8x64x128xf32, #tpu.memory_space<vmem>> -> memref<1x64x128xf32, #tpu.memory_space<vmem>>
      %dma_start3A_147 = tpu.memref_squeeze %dma_start3A_146 : memref<1x64x128xf32, #tpu.memory_space<vmem>> -> memref<64x128xf32, #tpu.memory_space<vmem>>
      %dma_start3A_148 = arith.constant 0 : i32
      %dma_start3A_149 = tpu.memref_slice %arg2[%dma_start3A_148, %multiple_of3A_142] : memref<64x1000000xf32, #tpu.memory_space<hbm>> -> memref<64x128xf32, #tpu.memory_space<hbm>>
      %dma_start3A_150 = arith.constant 0 : i32
      %dma_start3A_151 = arith.constant 0 : i32
      %dma_start3A_152 = tpu.memref_slice %arg7[%dma_start3A_143, %dma_start3A_150, %dma_start3A_151] : memref<8x64x128xf32, #tpu.memory_space<vmem>> -> memref<1x64x128xf32, #tpu.memory_space<vmem>>
      %dma_start3A_153 = tpu.memref_squeeze %dma_start3A_152 : memref<1x64x128xf32, #tpu.memory_space<vmem>> -> memref<64x128xf32, #tpu.memory_space<vmem>>
      %dma_start3A_154 = arith.constant 0 : i32
      %dma_start3A_155 = tpu.memref_slice %arg2[%dma_start3A_154, %multiple_of3A_142] : memref<64x1000000xf32, #tpu.memory_space<hbm>> -> memref<64x128xf32, #tpu.memory_space<hbm>>
      tpu.enqueue_dma source(%dma_start3A_155 : memref<64x128xf32, #tpu.memory_space<hbm>>) target(%dma_start3A_153 : memref<64x128xf32, #tpu.memory_space<vmem>>) target_semaphore(%arg18 : memref<!tpu.dma_semaphore, #tpu.memory_space<semaphore_mem>>)
      %dma_wait3A = tpu.memref_slice %arg4[%mul3A_23] : memref<12800xf32, #tpu.memory_space<hbm>> -> memref<512xf32, #tpu.memory_space<hbm>>
      %dma_wait3A_156 = tpu.memref_slice %arg4[%mul3A_23] : memref<12800xf32, #tpu.memory_space<hbm>> -> memref<512xf32, #tpu.memory_space<hbm>>
      tpu.wait_dma2 semaphore(%arg19 : memref<!tpu.dma_semaphore, #tpu.memory_space<semaphore_mem>>) src(%dma_wait3A_156 : memref<512xf32, #tpu.memory_space<hbm>>) dst(%arg10 : memref<512xf32, #tpu.memory_space<vmem>>)
      %dma_wait3A_157 = arith.constant 0 : i32
      %dma_wait3A_158 = arith.constant 0 : i32
      %dma_wait3A_159 = arith.constant 0 : i32
      %dma_wait3A_160 = tpu.memref_slice %arg7[%dma_wait3A_157, %dma_wait3A_158, %dma_wait3A_159] : memref<8x64x128xf32, #tpu.memory_space<vmem>> -> memref<1x64x128xf32, #tpu.memory_space<vmem>>
      %dma_wait3A_161 = tpu.memref_squeeze %dma_wait3A_160 : memref<1x64x128xf32, #tpu.memory_space<vmem>> -> memref<64x128xf32, #tpu.memory_space<vmem>>
      %dma_wait3A_162 = arith.constant 0 : i32
      %dma_wait3A_163 = tpu.memref_slice %arg2[%dma_wait3A_162, %multiple_of3A] : memref<64x1000000xf32, #tpu.memory_space<hbm>> -> memref<64x128xf32, #tpu.memory_space<hbm>>
      %dma_wait3A_164 = arith.constant 0 : i32
      %dma_wait3A_165 = arith.constant 0 : i32
      %dma_wait3A_166 = tpu.memref_slice %arg7[%dma_wait3A_157, %dma_wait3A_164, %dma_wait3A_165] : memref<8x64x128xf32, #tpu.memory_space<vmem>> -> memref<1x64x128xf32, #tpu.memory_space<vmem>>
      %dma_wait3A_167 = tpu.memref_squeeze %dma_wait3A_166 : memref<1x64x128xf32, #tpu.memory_space<vmem>> -> memref<64x128xf32, #tpu.memory_space<vmem>>
      %dma_wait3A_168 = arith.constant 0 : i32
      %dma_wait3A_169 = tpu.memref_slice %arg2[%dma_wait3A_168, %multiple_of3A] : memref<64x1000000xf32, #tpu.memory_space<hbm>> -> memref<64x128xf32, #tpu.memory_space<hbm>>
      tpu.wait_dma2 semaphore(%arg11 : memref<!tpu.dma_semaphore, #tpu.memory_space<semaphore_mem>>) src(%dma_wait3A_169 : memref<64x128xf32, #tpu.memory_space<hbm>>) dst(%dma_wait3A_167 : memref<64x128xf32, #tpu.memory_space<vmem>>)
      %slice3A_170 = vector.extract_strided_slice %min3A_14 {offsets = [0], sizes = [1], strides = [1]} : vector<16xi32> to vector<1xi32>
      %squeeze3A_171 = vector.extract %slice3A_170[0] : i32 from vector<1xi32>
      %broadcast_in_dim3A = vector.broadcast %squeeze3A_171 : i32 to vector<16xi32>
      %iota3A = tpu.iota {dimensions = array<i32: 0>} : vector<16xi32>
      %add3A_172 = arith.constant 0 : i32
      %add3A_173 = vector.broadcast %add3A_172 : i32 to vector<16xi32>
      %add3A_174 = arith.addi %iota3A, %add3A_173 : vector<16xi32>
      %gather3A = arith.constant 0 : i32
      %gather3A_175 = arith.constant 0 : i32
      %gather3A_176 = arith.constant 0 : i32
      %gather3A_177 = tpu.memref_slice %arg7[%gather3A, %gather3A_175, %gather3A_176] : memref<8x64x128xf32, #tpu.memory_space<vmem>> -> memref<1x64x128xf32, #tpu.memory_space<vmem>>
      %gather3A_178 = tpu.memref_squeeze %gather3A_177 : memref<1x64x128xf32, #tpu.memory_space<vmem>> -> memref<64x128xf32, #tpu.memory_space<vmem>>
      %gather3A_179 = tpu.vector_load_idx %gather3A_178[%add3A_174, %broadcast_in_dim3A] : memref<64x128xf32, #tpu.memory_space<vmem>>[vector<16xi32>, vector<16xi32>], vector<16xf32>,
      %get3A_180 = arith.constant 0 : index
      %get3A_181 = tpu.vector_load %arg10[%get3A_180] {strides = array<i32>} : memref<512xf32, #tpu.memory_space<vmem>>, vector<16xf32>,
      %add3A_182 = arith.addf %gather3A_179, %get3A_181 : vector<16xf32>
      %swap3A = arith.constant 0 : i32
      %swap3A_183 = arith.index_cast %swap3A : i32 to index
      %swap3A_184 = arith.constant 0 : index
      %swap3A_185 = tpu.vector_load %arg9[%swap3A_183, %swap3A_184] {strides = array<i32>} : memref<8x64xf32, #tpu.memory_space<vmem>>, vector<16xf32>,
      tpu.vector_store %arg9[%swap3A_183, %swap3A_184], %add3A_182 {strides = array<i32>} : memref<8x64xf32, #tpu.memory_space<vmem>>, vector<16xf32>,
      %iota3A_186 = tpu.iota {dimensions = array<i32: 0>} : vector<16xi32>
      %add3A_187 = arith.constant 16 : i32
      %add3A_188 = vector.broadcast %add3A_187 : i32 to vector<16xi32>
      %add3A_189 = arith.addi %iota3A_186, %add3A_188 : vector<16xi32>
      %gather3A_190 = arith.constant 0 : i32
      %gather3A_191 = arith.constant 0 : i32
      %gather3A_192 = arith.constant 0 : i32
      %gather3A_193 = tpu.memref_slice %arg7[%gather3A_190, %gather3A_191, %gather3A_192] : memref<8x64x128xf32, #tpu.memory_space<vmem>> -> memref<1x64x128xf32, #tpu.memory_space<vmem>>
      %gather3A_194 = tpu.memref_squeeze %gather3A_193 : memref<1x64x128xf32, #tpu.memory_space<vmem>> -> memref<64x128xf32, #tpu.memory_space<vmem>>
      %gather3A_195 = tpu.vector_load_idx %gather3A_194[%add3A_189, %broadcast_in_dim3A] : memref<64x128xf32, #tpu.memory_space<vmem>>[vector<16xi32>, vector<16xi32>], vector<16xf32>,
      %get3A_196 = arith.constant 16 : index
      %get3A_197 = tpu.vector_load %arg10[%get3A_196] {strides = array<i32>} : memref<512xf32, #tpu.memory_space<vmem>>, vector<16xf32>,
      %add3A_198 = arith.addf %gather3A_195, %get3A_197 : vector<16xf32>
      %swap3A_199 = arith.constant 0 : i32
      %swap3A_200 = arith.index_cast %swap3A_199 : i32 to index
      %swap3A_201 = arith.constant 16 : index
      %swap3A_202 = tpu.vector_load %arg9[%swap3A_200, %swap3A_201] {strides = array<i32>} : memref<8x64xf32, #tpu.memory_space<vmem>>, vector<16xf32>,
      tpu.vector_store %arg9[%swap3A_200, %swap3A_201], %add3A_198 {strides = array<i32>} : memref<8x64xf32, #tpu.memory_space<vmem>>, vector<16xf32>,
      %iota3A_203 = tpu.iota {dimensions = array<i32: 0>} : vector<16xi32>
      %add3A_204 = arith.constant 32 : i32
      %add3A_205 = vector.broadcast %add3A_204 : i32 to vector<16xi32>
      %add3A_206 = arith.addi %iota3A_203, %add3A_205 : vector<16xi32>
      %gather3A_207 = arith.constant 0 : i32
      %gather3A_208 = arith.constant 0 : i32
      %gather3A_209 = arith.constant 0 : i32
      %gather3A_210 = tpu.memref_slice %arg7[%gather3A_207, %gather3A_208, %gather3A_209] : memref<8x64x128xf32, #tpu.memory_space<vmem>> -> memref<1x64x128xf32, #tpu.memory_space<vmem>>
      %gather3A_211 = tpu.memref_squeeze %gather3A_210 : memref<1x64x128xf32, #tpu.memory_space<vmem>> -> memref<64x128xf32, #tpu.memory_space<vmem>>
      %gather3A_212 = tpu.vector_load_idx %gather3A_211[%add3A_206, %broadcast_in_dim3A] : memref<64x128xf32, #tpu.memory_space<vmem>>[vector<16xi32>, vector<16xi32>], vector<16xf32>,
      %get3A_213 = arith.constant 32 : index
      %get3A_214 = tpu.vector_load %arg10[%get3A_213] {strides = array<i32>} : memref<512xf32, #tpu.memory_space<vmem>>, vector<16xf32>,
      %add3A_215 = arith.addf %gather3A_212, %get3A_214 : vector<16xf32>
      %swap3A_216 = arith.constant 0 : i32
      %swap3A_217 = arith.index_cast %swap3A_216 : i32 to index
      %swap3A_218 = arith.constant 32 : index
      %swap3A_219 = tpu.vector_load %arg9[%swap3A_217, %swap3A_218] {strides = array<i32>} : memref<8x64xf32, #tpu.memory_space<vmem>>, vector<16xf32>,
      tpu.vector_store %arg9[%swap3A_217, %swap3A_218], %add3A_215 {strides = array<i32>} : memref<8x64xf32, #tpu.memory_space<vmem>>, vector<16xf32>,
      %iota3A_220 = tpu.iota {dimensions = array<i32: 0>} : vector<16xi32>
      %add3A_221 = arith.constant 48 : i32
      %add3A_222 = vector.broadcast %add3A_221 : i32 to vector<16xi32>
      %add3A_223 = arith.addi %iota3A_220, %add3A_222 : vector<16xi32>
      %gather3A_224 = arith.constant 0 : i32
      %gather3A_225 = arith.constant 0 : i32
      %gather3A_226 = arith.constant 0 : i32
      %gather3A_227 = tpu.memref_slice %arg7[%gather3A_224, %gather3A_225, %gather3A_226] : memref<8x64x128xf32, #tpu.memory_space<vmem>> -> memref<1x64x128xf32, #tpu.memory_space<vmem>>
      %gather3A_228 = tpu.memref_squeeze %gather3A_227 : memref<1x64x128xf32, #tpu.memory_space<vmem>> -> memref<64x128xf32, #tpu.memory_space<vmem>>
      %gather3A_229 = tpu.vector_load_idx %gather3A_228[%add3A_223, %broadcast_in_dim3A] : memref<64x128xf32, #tpu.memory_space<vmem>>[vector<16xi32>, vector<16xi32>], vector<16xf32>,
      %get3A_230 = arith.constant 48 : index
      %get3A_231 = tpu.vector_load %arg10[%get3A_230] {strides = array<i32>} : memref<512xf32, #tpu.memory_space<vmem>>, vector<16xf32>,
      %add3A_232 = arith.addf %gather3A_229, %get3A_231 : vector<16xf32>
      %swap3A_233 = arith.constant 0 : i32
      %swap3A_234 = arith.index_cast %swap3A_233 : i32 to index
      %swap3A_235 = arith.constant 48 : index
      %swap3A_236 = tpu.vector_load %arg9[%swap3A_234, %swap3A_235] {strides = array<i32>} : memref<8x64xf32, #tpu.memory_space<vmem>>, vector<16xf32>,
      tpu.vector_store %arg9[%swap3A_234, %swap3A_235], %add3A_232 {strides = array<i32>} : memref<8x64xf32, #tpu.memory_space<vmem>>, vector<16xf32>,
      %dma_wait3A_237 = arith.constant 1 : i32
      %dma_wait3A_238 = arith.constant 0 : i32
      %dma_wait3A_239 = arith.constant 0 : i32
      %dma_wait3A_240 = tpu.memref_slice %arg7[%dma_wait3A_237, %dma_wait3A_238, %dma_wait3A_239] : memref<8x64x128xf32, #tpu.memory_space<vmem>> -> memref<1x64x128xf32, #tpu.memory_space<vmem>>
      %dma_wait3A_241 = tpu.memref_squeeze %dma_wait3A_240 : memref<1x64x128xf32, #tpu.memory_space<vmem>> -> memref<64x128xf32, #tpu.memory_space<vmem>>
      %dma_wait3A_242 = arith.constant 0 : i32
      %dma_wait3A_243 = tpu.memref_slice %arg2[%dma_wait3A_242, %multiple_of3A_46] : memref<64x1000000xf32, #tpu.memory_space<hbm>> -> memref<64x128xf32, #tpu.memory_space<hbm>>
      %dma_wait3A_244 = arith.constant 0 : i32
      %dma_wait3A_245 = arith.constant 0 : i32
      %dma_wait3A_246 = tpu.memref_slice %arg7[%dma_wait3A_237, %dma_wait3A_244, %dma_wait3A_245] : memref<8x64x128xf32, #tpu.memory_space<vmem>> -> memref<1x64x128xf32, #tpu.memory_space<vmem>>
      %dma_wait3A_247 = tpu.memref_squeeze %dma_wait3A_246 : memref<1x64x128xf32, #tpu.memory_space<vmem>> -> memref<64x128xf32, #tpu.memory_space<vmem>>
      %dma_wait3A_248 = arith.constant 0 : i32
      %dma_wait3A_249 = tpu.memref_slice %arg2[%dma_wait3A_248, %multiple_of3A_46] : memref<64x1000000xf32, #tpu.memory_space<hbm>> -> memref<64x128xf32, #tpu.memory_space<hbm>>
      tpu.wait_dma2 semaphore(%arg12 : memref<!tpu.dma_semaphore, #tpu.memory_space<semaphore_mem>>) src(%dma_wait3A_249 : memref<64x128xf32, #tpu.memory_space<hbm>>) dst(%dma_wait3A_247 : memref<64x128xf32, #tpu.memory_space<vmem>>)
      %slice3A_250 = vector.extract_strided_slice %min3A_14 {offsets = [1], sizes = [1], strides = [1]} : vector<16xi32> to vector<1xi32>
      %squeeze3A_251 = vector.extract %slice3A_250[0] : i32 from vector<1xi32>
      %broadcast_in_dim3A_252 = vector.broadcast %squeeze3A_251 : i32 to vector<16xi32>
      %iota3A_253 = tpu.iota {dimensions = array<i32: 0>} : vector<16xi32>
      %add3A_254 = arith.constant 0 : i32
      %add3A_255 = vector.broadcast %add3A_254 : i32 to vector<16xi32>
      %add3A_256 = arith.addi %iota3A_253, %add3A_255 : vector<16xi32>
      %gather3A_257 = arith.constant 1 : i32
      %gather3A_258 = arith.constant 0 : i32
      %gather3A_259 = arith.constant 0 : i32
      %gather3A_260 = tpu.memref_slice %arg7[%gather3A_257, %gather3A_258, %gather3A_259] : memref<8x64x128xf32, #tpu.memory_space<vmem>> -> memref<1x64x128xf32, #tpu.memory_space<vmem>>
      %gather3A_261 = tpu.memref_squeeze %gather3A_260 : memref<1x64x128xf32, #tpu.memory_space<vmem>> -> memref<64x128xf32, #tpu.memory_space<vmem>>
      %gather3A_262 = tpu.vector_load_idx %gather3A_261[%add3A_256, %broadcast_in_dim3A_252] : memref<64x128xf32, #tpu.memory_space<vmem>>[vector<16xi32>, vector<16xi32>], vector<16xf32>,
      %get3A_263 = arith.constant 64 : index
      %get3A_264 = tpu.vector_load %arg10[%get3A_263] {strides = array<i32>} : memref<512xf32, #tpu.memory_space<vmem>>, vector<16xf32>,
      %add3A_265 = arith.addf %gather3A_262, %get3A_264 : vector<16xf32>
      %swap3A_266 = arith.constant 1 : i32
      %swap3A_267 = arith.index_cast %swap3A_266 : i32 to index
      %swap3A_268 = arith.constant 0 : index
      %swap3A_269 = tpu.vector_load %arg9[%swap3A_267, %swap3A_268] {strides = array<i32>} : memref<8x64xf32, #tpu.memory_space<vmem>>, vector<16xf32>,
      tpu.vector_store %arg9[%swap3A_267, %swap3A_268], %add3A_265 {strides = array<i32>} : memref<8x64xf32, #tpu.memory_space<vmem>>, vector<16xf32>,
      %iota3A_270 = tpu.iota {dimensions = array<i32: 0>} : vector<16xi32>
      %add3A_271 = arith.constant 16 : i32
      %add3A_272 = vector.broadcast %add3A_271 : i32 to vector<16xi32>
      %add3A_273 = arith.addi %iota3A_270, %add3A_272 : vector<16xi32>
      %gather3A_274 = arith.constant 1 : i32
      %gather3A_275 = arith.constant 0 : i32
      %gather3A_276 = arith.constant 0 : i32
      %gather3A_277 = tpu.memref_slice %arg7[%gather3A_274, %gather3A_275, %gather3A_276] : memref<8x64x128xf32, #tpu.memory_space<vmem>> -> memref<1x64x128xf32, #tpu.memory_space<vmem>>
      %gather3A_278 = tpu.memref_squeeze %gather3A_277 : memref<1x64x128xf32, #tpu.memory_space<vmem>> -> memref<64x128xf32, #tpu.memory_space<vmem>>
      %gather3A_279 = tpu.vector_load_idx %gather3A_278[%add3A_273, %broadcast_in_dim3A_252] : memref<64x128xf32, #tpu.memory_space<vmem>>[vector<16xi32>, vector<16xi32>], vector<16xf32>,
      %get3A_280 = arith.constant 80 : index
      %get3A_281 = tpu.vector_load %arg10[%get3A_280] {strides = array<i32>} : memref<512xf32, #tpu.memory_space<vmem>>, vector<16xf32>,
      %add3A_282 = arith.addf %gather3A_279, %get3A_281 : vector<16xf32>
      %swap3A_283 = arith.constant 1 : i32
      %swap3A_284 = arith.index_cast %swap3A_283 : i32 to index
      %swap3A_285 = arith.constant 16 : index
      %swap3A_286 = tpu.vector_load %arg9[%swap3A_284, %swap3A_285] {strides = array<i32>} : memref<8x64xf32, #tpu.memory_space<vmem>>, vector<16xf32>,
      tpu.vector_store %arg9[%swap3A_284, %swap3A_285], %add3A_282 {strides = array<i32>} : memref<8x64xf32, #tpu.memory_space<vmem>>, vector<16xf32>,
      %iota3A_287 = tpu.iota {dimensions = array<i32: 0>} : vector<16xi32>
      %add3A_288 = arith.constant 32 : i32
      %add3A_289 = vector.broadcast %add3A_288 : i32 to vector<16xi32>
      %add3A_290 = arith.addi %iota3A_287, %add3A_289 : vector<16xi32>
      %gather3A_291 = arith.constant 1 : i32
      %gather3A_292 = arith.constant 0 : i32
      %gather3A_293 = arith.constant 0 : i32
      %gather3A_294 = tpu.memref_slice %arg7[%gather3A_291, %gather3A_292, %gather3A_293] : memref<8x64x128xf32, #tpu.memory_space<vmem>> -> memref<1x64x128xf32, #tpu.memory_space<vmem>>
      %gather3A_295 = tpu.memref_squeeze %gather3A_294 : memref<1x64x128xf32, #tpu.memory_space<vmem>> -> memref<64x128xf32, #tpu.memory_space<vmem>>
      %gather3A_296 = tpu.vector_load_idx %gather3A_295[%add3A_290, %broadcast_in_dim3A_252] : memref<64x128xf32, #tpu.memory_space<vmem>>[vector<16xi32>, vector<16xi32>], vector<16xf32>,
      %get3A_297 = arith.constant 96 : index
      %get3A_298 = tpu.vector_load %arg10[%get3A_297] {strides = array<i32>} : memref<512xf32, #tpu.memory_space<vmem>>, vector<16xf32>,
      %add3A_299 = arith.addf %gather3A_296, %get3A_298 : vector<16xf32>
      %swap3A_300 = arith.constant 1 : i32
      %swap3A_301 = arith.index_cast %swap3A_300 : i32 to index
      %swap3A_302 = arith.constant 32 : index
      %swap3A_303 = tpu.vector_load %arg9[%swap3A_301, %swap3A_302] {strides = array<i32>} : memref<8x64xf32, #tpu.memory_space<vmem>>, vector<16xf32>,
      tpu.vector_store %arg9[%swap3A_301, %swap3A_302], %add3A_299 {strides = array<i32>} : memref<8x64xf32, #tpu.memory_space<vmem>>, vector<16xf32>,
      %iota3A_304 = tpu.iota {dimensions = array<i32: 0>} : vector<16xi32>
      %add3A_305 = arith.constant 48 : i32
      %add3A_306 = vector.broadcast %add3A_305 : i32 to vector<16xi32>
      %add3A_307 = arith.addi %iota3A_304, %add3A_306 : vector<16xi32>
      %gather3A_308 = arith.constant 1 : i32
      %gather3A_309 = arith.constant 0 : i32
      %gather3A_310 = arith.constant 0 : i32
      %gather3A_311 = tpu.memref_slice %arg7[%gather3A_308, %gather3A_309, %gather3A_310] : memref<8x64x128xf32, #tpu.memory_space<vmem>> -> memref<1x64x128xf32, #tpu.memory_space<vmem>>
      %gather3A_312 = tpu.memref_squeeze %gather3A_311 : memref<1x64x128xf32, #tpu.memory_space<vmem>> -> memref<64x128xf32, #tpu.memory_space<vmem>>
      %gather3A_313 = tpu.vector_load_idx %gather3A_312[%add3A_307, %broadcast_in_dim3A_252] : memref<64x128xf32, #tpu.memory_space<vmem>>[vector<16xi32>, vector<16xi32>], vector<16xf32>,
      %get3A_314 = arith.constant 112 : index
      %get3A_315 = tpu.vector_load %arg10[%get3A_314] {strides = array<i32>} : memref<512xf32, #tpu.memory_space<vmem>>, vector<16xf32>,
      %add3A_316 = arith.addf %gather3A_313, %get3A_315 : vector<16xf32>
      %swap3A_317 = arith.constant 1 : i32
      %swap3A_318 = arith.index_cast %swap3A_317 : i32 to index
      %swap3A_319 = arith.constant 48 : index
      %swap3A_320 = tpu.vector_load %arg9[%swap3A_318, %swap3A_319] {strides = array<i32>} : memref<8x64xf32, #tpu.memory_space<vmem>>, vector<16xf32>,
      tpu.vector_store %arg9[%swap3A_318, %swap3A_319], %add3A_316 {strides = array<i32>} : memref<8x64xf32, #tpu.memory_space<vmem>>, vector<16xf32>,
      %dma_wait3A_321 = arith.constant 2 : i32
      %dma_wait3A_322 = arith.constant 0 : i32
      %dma_wait3A_323 = arith.constant 0 : i32
      %dma_wait3A_324 = tpu.memref_slice %arg7[%dma_wait3A_321, %dma_wait3A_322, %dma_wait3A_323] : memref<8x64x128xf32, #tpu.memory_space<vmem>> -> memref<1x64x128xf32, #tpu.memory_space<vmem>>
      %dma_wait3A_325 = tpu.memref_squeeze %dma_wait3A_324 : memref<1x64x128xf32, #tpu.memory_space<vmem>> -> memref<64x128xf32, #tpu.memory_space<vmem>>
      %dma_wait3A_326 = arith.constant 0 : i32
      %dma_wait3A_327 = tpu.memref_slice %arg2[%dma_wait3A_326, %multiple_of3A_62] : memref<64x1000000xf32, #tpu.memory_space<hbm>> -> memref<64x128xf32, #tpu.memory_space<hbm>>
      %dma_wait3A_328 = arith.constant 0 : i32
      %dma_wait3A_329 = arith.constant 0 : i32
      %dma_wait3A_330 = tpu.memref_slice %arg7[%dma_wait3A_321, %dma_wait3A_328, %dma_wait3A_329] : memref<8x64x128xf32, #tpu.memory_space<vmem>> -> memref<1x64x128xf32, #tpu.memory_space<vmem>>
      %dma_wait3A_331 = tpu.memref_squeeze %dma_wait3A_330 : memref<1x64x128xf32, #tpu.memory_space<vmem>> -> memref<64x128xf32, #tpu.memory_space<vmem>>
      %dma_wait3A_332 = arith.constant 0 : i32
      %dma_wait3A_333 = tpu.memref_slice %arg2[%dma_wait3A_332, %multiple_of3A_62] : memref<64x1000000xf32, #tpu.memory_space<hbm>> -> memref<64x128xf32, #tpu.memory_space<hbm>>
      tpu.wait_dma2 semaphore(%arg13 : memref<!tpu.dma_semaphore, #tpu.memory_space<semaphore_mem>>) src(%dma_wait3A_333 : memref<64x128xf32, #tpu.memory_space<hbm>>) dst(%dma_wait3A_331 : memref<64x128xf32, #tpu.memory_space<vmem>>)
      %slice3A_334 = vector.extract_strided_slice %min3A_14 {offsets = [2], sizes = [1], strides = [1]} : vector<16xi32> to vector<1xi32>
      %squeeze3A_335 = vector.extract %slice3A_334[0] : i32 from vector<1xi32>
      %broadcast_in_dim3A_336 = vector.broadcast %squeeze3A_335 : i32 to vector<16xi32>
      %iota3A_337 = tpu.iota {dimensions = array<i32: 0>} : vector<16xi32>
      %add3A_338 = arith.constant 0 : i32
      %add3A_339 = vector.broadcast %add3A_338 : i32 to vector<16xi32>
      %add3A_340 = arith.addi %iota3A_337, %add3A_339 : vector<16xi32>
      %gather3A_341 = arith.constant 2 : i32
      %gather3A_342 = arith.constant 0 : i32
      %gather3A_343 = arith.constant 0 : i32
      %gather3A_344 = tpu.memref_slice %arg7[%gather3A_341, %gather3A_342, %gather3A_343] : memref<8x64x128xf32, #tpu.memory_space<vmem>> -> memref<1x64x128xf32, #tpu.memory_space<vmem>>
      %gather3A_345 = tpu.memref_squeeze %gather3A_344 : memref<1x64x128xf32, #tpu.memory_space<vmem>> -> memref<64x128xf32, #tpu.memory_space<vmem>>
      %gather3A_346 = tpu.vector_load_idx %gather3A_345[%add3A_340, %broadcast_in_dim3A_336] : memref<64x128xf32, #tpu.memory_space<vmem>>[vector<16xi32>, vector<16xi32>], vector<16xf32>,
      %get3A_347 = arith.constant 128 : index
      %get3A_348 = tpu.vector_load %arg10[%get3A_347] {strides = array<i32>} : memref<512xf32, #tpu.memory_space<vmem>>, vector<16xf32>,
      %add3A_349 = arith.addf %gather3A_346, %get3A_348 : vector<16xf32>
      %swap3A_350 = arith.constant 2 : i32
      %swap3A_351 = arith.index_cast %swap3A_350 : i32 to index
      %swap3A_352 = arith.constant 0 : index
      %swap3A_353 = tpu.vector_load %arg9[%swap3A_351, %swap3A_352] {strides = array<i32>} : memref<8x64xf32, #tpu.memory_space<vmem>>, vector<16xf32>,
      tpu.vector_store %arg9[%swap3A_351, %swap3A_352], %add3A_349 {strides = array<i32>} : memref<8x64xf32, #tpu.memory_space<vmem>>, vector<16xf32>,
      %iota3A_354 = tpu.iota {dimensions = array<i32: 0>} : vector<16xi32>
      %add3A_355 = arith.constant 16 : i32
      %add3A_356 = vector.broadcast %add3A_355 : i32 to vector<16xi32>
      %add3A_357 = arith.addi %iota3A_354, %add3A_356 : vector<16xi32>
      %gather3A_358 = arith.constant 2 : i32
      %gather3A_359 = arith.constant 0 : i32
      %gather3A_360 = arith.constant 0 : i32
      %gather3A_361 = tpu.memref_slice %arg7[%gather3A_358, %gather3A_359, %gather3A_360] : memref<8x64x128xf32, #tpu.memory_space<vmem>> -> memref<1x64x128xf32, #tpu.memory_space<vmem>>
      %gather3A_362 = tpu.memref_squeeze %gather3A_361 : memref<1x64x128xf32, #tpu.memory_space<vmem>> -> memref<64x128xf32, #tpu.memory_space<vmem>>
      %gather3A_363 = tpu.vector_load_idx %gather3A_362[%add3A_357, %broadcast_in_dim3A_336] : memref<64x128xf32, #tpu.memory_space<vmem>>[vector<16xi32>, vector<16xi32>], vector<16xf32>,
      %get3A_364 = arith.constant 144 : index
      %get3A_365 = tpu.vector_load %arg10[%get3A_364] {strides = array<i32>} : memref<512xf32, #tpu.memory_space<vmem>>, vector<16xf32>,
      %add3A_366 = arith.addf %gather3A_363, %get3A_365 : vector<16xf32>
      %swap3A_367 = arith.constant 2 : i32
      %swap3A_368 = arith.index_cast %swap3A_367 : i32 to index
      %swap3A_369 = arith.constant 16 : index
      %swap3A_370 = tpu.vector_load %arg9[%swap3A_368, %swap3A_369] {strides = array<i32>} : memref<8x64xf32, #tpu.memory_space<vmem>>, vector<16xf32>,
      tpu.vector_store %arg9[%swap3A_368, %swap3A_369], %add3A_366 {strides = array<i32>} : memref<8x64xf32, #tpu.memory_space<vmem>>, vector<16xf32>,
      %iota3A_371 = tpu.iota {dimensions = array<i32: 0>} : vector<16xi32>
      %add3A_372 = arith.constant 32 : i32
      %add3A_373 = vector.broadcast %add3A_372 : i32 to vector<16xi32>
      %add3A_374 = arith.addi %iota3A_371, %add3A_373 : vector<16xi32>
      %gather3A_375 = arith.constant 2 : i32
      %gather3A_376 = arith.constant 0 : i32
      %gather3A_377 = arith.constant 0 : i32
      %gather3A_378 = tpu.memref_slice %arg7[%gather3A_375, %gather3A_376, %gather3A_377] : memref<8x64x128xf32, #tpu.memory_space<vmem>> -> memref<1x64x128xf32, #tpu.memory_space<vmem>>
      %gather3A_379 = tpu.memref_squeeze %gather3A_378 : memref<1x64x128xf32, #tpu.memory_space<vmem>> -> memref<64x128xf32, #tpu.memory_space<vmem>>
      %gather3A_380 = tpu.vector_load_idx %gather3A_379[%add3A_374, %broadcast_in_dim3A_336] : memref<64x128xf32, #tpu.memory_space<vmem>>[vector<16xi32>, vector<16xi32>], vector<16xf32>,
      %get3A_381 = arith.constant 160 : index
      %get3A_382 = tpu.vector_load %arg10[%get3A_381] {strides = array<i32>} : memref<512xf32, #tpu.memory_space<vmem>>, vector<16xf32>,
      %add3A_383 = arith.addf %gather3A_380, %get3A_382 : vector<16xf32>
      %swap3A_384 = arith.constant 2 : i32
      %swap3A_385 = arith.index_cast %swap3A_384 : i32 to index
      %swap3A_386 = arith.constant 32 : index
      %swap3A_387 = tpu.vector_load %arg9[%swap3A_385, %swap3A_386] {strides = array<i32>} : memref<8x64xf32, #tpu.memory_space<vmem>>, vector<16xf32>,
      tpu.vector_store %arg9[%swap3A_385, %swap3A_386], %add3A_383 {strides = array<i32>} : memref<8x64xf32, #tpu.memory_space<vmem>>, vector<16xf32>,
      %iota3A_388 = tpu.iota {dimensions = array<i32: 0>} : vector<16xi32>
      %add3A_389 = arith.constant 48 : i32
      %add3A_390 = vector.broadcast %add3A_389 : i32 to vector<16xi32>
      %add3A_391 = arith.addi %iota3A_388, %add3A_390 : vector<16xi32>
      %gather3A_392 = arith.constant 2 : i32
      %gather3A_393 = arith.constant 0 : i32
      %gather3A_394 = arith.constant 0 : i32
      %gather3A_395 = tpu.memref_slice %arg7[%gather3A_392, %gather3A_393, %gather3A_394] : memref<8x64x128xf32, #tpu.memory_space<vmem>> -> memref<1x64x128xf32, #tpu.memory_space<vmem>>
      %gather3A_396 = tpu.memref_squeeze %gather3A_395 : memref<1x64x128xf32, #tpu.memory_space<vmem>> -> memref<64x128xf32, #tpu.memory_space<vmem>>
      %gather3A_397 = tpu.vector_load_idx %gather3A_396[%add3A_391, %broadcast_in_dim3A_336] : memref<64x128xf32, #tpu.memory_space<vmem>>[vector<16xi32>, vector<16xi32>], vector<16xf32>,
      %get3A_398 = arith.constant 176 : index
      %get3A_399 = tpu.vector_load %arg10[%get3A_398] {strides = array<i32>} : memref<512xf32, #tpu.memory_space<vmem>>, vector<16xf32>,
      %add3A_400 = arith.addf %gather3A_397, %get3A_399 : vector<16xf32>
      %swap3A_401 = arith.constant 2 : i32
      %swap3A_402 = arith.index_cast %swap3A_401 : i32 to index
      %swap3A_403 = arith.constant 48 : index
      %swap3A_404 = tpu.vector_load %arg9[%swap3A_402, %swap3A_403] {strides = array<i32>} : memref<8x64xf32, #tpu.memory_space<vmem>>, vector<16xf32>,
      tpu.vector_store %arg9[%swap3A_402, %swap3A_403], %add3A_400 {strides = array<i32>} : memref<8x64xf32, #tpu.memory_space<vmem>>, vector<16xf32>,
      %dma_wait3A_405 = arith.constant 3 : i32
      %dma_wait3A_406 = arith.constant 0 : i32
      %dma_wait3A_407 = arith.constant 0 : i32
      %dma_wait3A_408 = tpu.memref_slice %arg7[%dma_wait3A_405, %dma_wait3A_406, %dma_wait3A_407] : memref<8x64x128xf32, #tpu.memory_space<vmem>> -> memref<1x64x128xf32, #tpu.memory_space<vmem>>
      %dma_wait3A_409 = tpu.memref_squeeze %dma_wait3A_408 : memref<1x64x128xf32, #tpu.memory_space<vmem>> -> memref<64x128xf32, #tpu.memory_space<vmem>>
      %dma_wait3A_410 = arith.constant 0 : i32
      %dma_wait3A_411 = tpu.memref_slice %arg2[%dma_wait3A_410, %multiple_of3A_78] : memref<64x1000000xf32, #tpu.memory_space<hbm>> -> memref<64x128xf32, #tpu.memory_space<hbm>>
      %dma_wait3A_412 = arith.constant 0 : i32
      %dma_wait3A_413 = arith.constant 0 : i32
      %dma_wait3A_414 = tpu.memref_slice %arg7[%dma_wait3A_405, %dma_wait3A_412, %dma_wait3A_413] : memref<8x64x128xf32, #tpu.memory_space<vmem>> -> memref<1x64x128xf32, #tpu.memory_space<vmem>>
      %dma_wait3A_415 = tpu.memref_squeeze %dma_wait3A_414 : memref<1x64x128xf32, #tpu.memory_space<vmem>> -> memref<64x128xf32, #tpu.memory_space<vmem>>
      %dma_wait3A_416 = arith.constant 0 : i32
      %dma_wait3A_417 = tpu.memref_slice %arg2[%dma_wait3A_416, %multiple_of3A_78] : memref<64x1000000xf32, #tpu.memory_space<hbm>> -> memref<64x128xf32, #tpu.memory_space<hbm>>
      tpu.wait_dma2 semaphore(%arg14 : memref<!tpu.dma_semaphore, #tpu.memory_space<semaphore_mem>>) src(%dma_wait3A_417 : memref<64x128xf32, #tpu.memory_space<hbm>>) dst(%dma_wait3A_415 : memref<64x128xf32, #tpu.memory_space<vmem>>)
      %slice3A_418 = vector.extract_strided_slice %min3A_14 {offsets = [3], sizes = [1], strides = [1]} : vector<16xi32> to vector<1xi32>
      %squeeze3A_419 = vector.extract %slice3A_418[0] : i32 from vector<1xi32>
      %broadcast_in_dim3A_420 = vector.broadcast %squeeze3A_419 : i32 to vector<16xi32>
      %iota3A_421 = tpu.iota {dimensions = array<i32: 0>} : vector<16xi32>
      %add3A_422 = arith.constant 0 : i32
      %add3A_423 = vector.broadcast %add3A_422 : i32 to vector<16xi32>
      %add3A_424 = arith.addi %iota3A_421, %add3A_423 : vector<16xi32>
      %gather3A_425 = arith.constant 3 : i32
      %gather3A_426 = arith.constant 0 : i32
      %gather3A_427 = arith.constant 0 : i32
      %gather3A_428 = tpu.memref_slice %arg7[%gather3A_425, %gather3A_426, %gather3A_427] : memref<8x64x128xf32, #tpu.memory_space<vmem>> -> memref<1x64x128xf32, #tpu.memory_space<vmem>>
      %gather3A_429 = tpu.memref_squeeze %gather3A_428 : memref<1x64x128xf32, #tpu.memory_space<vmem>> -> memref<64x128xf32, #tpu.memory_space<vmem>>
      %gather3A_430 = tpu.vector_load_idx %gather3A_429[%add3A_424, %broadcast_in_dim3A_420] : memref<64x128xf32, #tpu.memory_space<vmem>>[vector<16xi32>, vector<16xi32>], vector<16xf32>,
      %get3A_431 = arith.constant 192 : index
      %get3A_432 = tpu.vector_load %arg10[%get3A_431] {strides = array<i32>} : memref<512xf32, #tpu.memory_space<vmem>>, vector<16xf32>,
      %add3A_433 = arith.addf %gather3A_430, %get3A_432 : vector<16xf32>
      %swap3A_434 = arith.constant 3 : i32
      %swap3A_435 = arith.index_cast %swap3A_434 : i32 to index
      %swap3A_436 = arith.constant 0 : index
      %swap3A_437 = tpu.vector_load %arg9[%swap3A_435, %swap3A_436] {strides = array<i32>} : memref<8x64xf32, #tpu.memory_space<vmem>>, vector<16xf32>,
      tpu.vector_store %arg9[%swap3A_435, %swap3A_436], %add3A_433 {strides = array<i32>} : memref<8x64xf32, #tpu.memory_space<vmem>>, vector<16xf32>,
      %iota3A_438 = tpu.iota {dimensions = array<i32: 0>} : vector<16xi32>
      %add3A_439 = arith.constant 16 : i32
      %add3A_440 = vector.broadcast %add3A_439 : i32 to vector<16xi32>
      %add3A_441 = arith.addi %iota3A_438, %add3A_440 : vector<16xi32>
      %gather3A_442 = arith.constant 3 : i32
      %gather3A_443 = arith.constant 0 : i32
      %gather3A_444 = arith.constant 0 : i32
      %gather3A_445 = tpu.memref_slice %arg7[%gather3A_442, %gather3A_443, %gather3A_444] : memref<8x64x128xf32, #tpu.memory_space<vmem>> -> memref<1x64x128xf32, #tpu.memory_space<vmem>>
      %gather3A_446 = tpu.memref_squeeze %gather3A_445 : memref<1x64x128xf32, #tpu.memory_space<vmem>> -> memref<64x128xf32, #tpu.memory_space<vmem>>
      %gather3A_447 = tpu.vector_load_idx %gather3A_446[%add3A_441, %broadcast_in_dim3A_420] : memref<64x128xf32, #tpu.memory_space<vmem>>[vector<16xi32>, vector<16xi32>], vector<16xf32>,
      %get3A_448 = arith.constant 208 : index
      %get3A_449 = tpu.vector_load %arg10[%get3A_448] {strides = array<i32>} : memref<512xf32, #tpu.memory_space<vmem>>, vector<16xf32>,
      %add3A_450 = arith.addf %gather3A_447, %get3A_449 : vector<16xf32>
      %swap3A_451 = arith.constant 3 : i32
      %swap3A_452 = arith.index_cast %swap3A_451 : i32 to index
      %swap3A_453 = arith.constant 16 : index
      %swap3A_454 = tpu.vector_load %arg9[%swap3A_452, %swap3A_453] {strides = array<i32>} : memref<8x64xf32, #tpu.memory_space<vmem>>, vector<16xf32>,
      tpu.vector_store %arg9[%swap3A_452, %swap3A_453], %add3A_450 {strides = array<i32>} : memref<8x64xf32, #tpu.memory_space<vmem>>, vector<16xf32>,
      %iota3A_455 = tpu.iota {dimensions = array<i32: 0>} : vector<16xi32>
      %add3A_456 = arith.constant 32 : i32
      %add3A_457 = vector.broadcast %add3A_456 : i32 to vector<16xi32>
      %add3A_458 = arith.addi %iota3A_455, %add3A_457 : vector<16xi32>
      %gather3A_459 = arith.constant 3 : i32
      %gather3A_460 = arith.constant 0 : i32
      %gather3A_461 = arith.constant 0 : i32
      %gather3A_462 = tpu.memref_slice %arg7[%gather3A_459, %gather3A_460, %gather3A_461] : memref<8x64x128xf32, #tpu.memory_space<vmem>> -> memref<1x64x128xf32, #tpu.memory_space<vmem>>
      %gather3A_463 = tpu.memref_squeeze %gather3A_462 : memref<1x64x128xf32, #tpu.memory_space<vmem>> -> memref<64x128xf32, #tpu.memory_space<vmem>>
      %gather3A_464 = tpu.vector_load_idx %gather3A_463[%add3A_458, %broadcast_in_dim3A_420] : memref<64x128xf32, #tpu.memory_space<vmem>>[vector<16xi32>, vector<16xi32>], vector<16xf32>,
      %get3A_465 = arith.constant 224 : index
      %get3A_466 = tpu.vector_load %arg10[%get3A_465] {strides = array<i32>} : memref<512xf32, #tpu.memory_space<vmem>>, vector<16xf32>,
      %add3A_467 = arith.addf %gather3A_464, %get3A_466 : vector<16xf32>
      %swap3A_468 = arith.constant 3 : i32
      %swap3A_469 = arith.index_cast %swap3A_468 : i32 to index
      %swap3A_470 = arith.constant 32 : index
      %swap3A_471 = tpu.vector_load %arg9[%swap3A_469, %swap3A_470] {strides = array<i32>} : memref<8x64xf32, #tpu.memory_space<vmem>>, vector<16xf32>,
      tpu.vector_store %arg9[%swap3A_469, %swap3A_470], %add3A_467 {strides = array<i32>} : memref<8x64xf32, #tpu.memory_space<vmem>>, vector<16xf32>,
      %iota3A_472 = tpu.iota {dimensions = array<i32: 0>} : vector<16xi32>
      %add3A_473 = arith.constant 48 : i32
      %add3A_474 = vector.broadcast %add3A_473 : i32 to vector<16xi32>
      %add3A_475 = arith.addi %iota3A_472, %add3A_474 : vector<16xi32>
      %gather3A_476 = arith.constant 3 : i32
      %gather3A_477 = arith.constant 0 : i32
      %gather3A_478 = arith.constant 0 : i32
      %gather3A_479 = tpu.memref_slice %arg7[%gather3A_476, %gather3A_477, %gather3A_478] : memref<8x64x128xf32, #tpu.memory_space<vmem>> -> memref<1x64x128xf32, #tpu.memory_space<vmem>>
      %gather3A_480 = tpu.memref_squeeze %gather3A_479 : memref<1x64x128xf32, #tpu.memory_space<vmem>> -> memref<64x128xf32, #tpu.memory_space<vmem>>
      %gather3A_481 = tpu.vector_load_idx %gather3A_480[%add3A_475, %broadcast_in_dim3A_420] : memref<64x128xf32, #tpu.memory_space<vmem>>[vector<16xi32>, vector<16xi32>], vector<16xf32>,
      %get3A_482 = arith.constant 240 : index
      %get3A_483 = tpu.vector_load %arg10[%get3A_482] {strides = array<i32>} : memref<512xf32, #tpu.memory_space<vmem>>, vector<16xf32>,
      %add3A_484 = arith.addf %gather3A_481, %get3A_483 : vector<16xf32>
      %swap3A_485 = arith.constant 3 : i32
      %swap3A_486 = arith.index_cast %swap3A_485 : i32 to index
      %swap3A_487 = arith.constant 48 : index
      %swap3A_488 = tpu.vector_load %arg9[%swap3A_486, %swap3A_487] {strides = array<i32>} : memref<8x64xf32, #tpu.memory_space<vmem>>, vector<16xf32>,
      tpu.vector_store %arg9[%swap3A_486, %swap3A_487], %add3A_484 {strides = array<i32>} : memref<8x64xf32, #tpu.memory_space<vmem>>, vector<16xf32>,
      %dma_wait3A_489 = arith.constant 4 : i32
      %dma_wait3A_490 = arith.constant 0 : i32
      %dma_wait3A_491 = arith.constant 0 : i32
      %dma_wait3A_492 = tpu.memref_slice %arg7[%dma_wait3A_489, %dma_wait3A_490, %dma_wait3A_491] : memref<8x64x128xf32, #tpu.memory_space<vmem>> -> memref<1x64x128xf32, #tpu.memory_space<vmem>>
      %dma_wait3A_493 = tpu.memref_squeeze %dma_wait3A_492 : memref<1x64x128xf32, #tpu.memory_space<vmem>> -> memref<64x128xf32, #tpu.memory_space<vmem>>
      %dma_wait3A_494 = arith.constant 0 : i32
      %dma_wait3A_495 = tpu.memref_slice %arg2[%dma_wait3A_494, %multiple_of3A_94] : memref<64x1000000xf32, #tpu.memory_space<hbm>> -> memref<64x128xf32, #tpu.memory_space<hbm>>
      %dma_wait3A_496 = arith.constant 0 : i32
      %dma_wait3A_497 = arith.constant 0 : i32
      %dma_wait3A_498 = tpu.memref_slice %arg7[%dma_wait3A_489, %dma_wait3A_496, %dma_wait3A_497] : memref<8x64x128xf32, #tpu.memory_space<vmem>> -> memref<1x64x128xf32, #tpu.memory_space<vmem>>
      %dma_wait3A_499 = tpu.memref_squeeze %dma_wait3A_498 : memref<1x64x128xf32, #tpu.memory_space<vmem>> -> memref<64x128xf32, #tpu.memory_space<vmem>>
      %dma_wait3A_500 = arith.constant 0 : i32
      %dma_wait3A_501 = tpu.memref_slice %arg2[%dma_wait3A_500, %multiple_of3A_94] : memref<64x1000000xf32, #tpu.memory_space<hbm>> -> memref<64x128xf32, #tpu.memory_space<hbm>>
      tpu.wait_dma2 semaphore(%arg15 : memref<!tpu.dma_semaphore, #tpu.memory_space<semaphore_mem>>) src(%dma_wait3A_501 : memref<64x128xf32, #tpu.memory_space<hbm>>) dst(%dma_wait3A_499 : memref<64x128xf32, #tpu.memory_space<vmem>>)
      %slice3A_502 = vector.extract_strided_slice %min3A_14 {offsets = [4], sizes = [1], strides = [1]} : vector<16xi32> to vector<1xi32>
      %squeeze3A_503 = vector.extract %slice3A_502[0] : i32 from vector<1xi32>
      %broadcast_in_dim3A_504 = vector.broadcast %squeeze3A_503 : i32 to vector<16xi32>
      %iota3A_505 = tpu.iota {dimensions = array<i32: 0>} : vector<16xi32>
      %add3A_506 = arith.constant 0 : i32
      %add3A_507 = vector.broadcast %add3A_506 : i32 to vector<16xi32>
      %add3A_508 = arith.addi %iota3A_505, %add3A_507 : vector<16xi32>
      %gather3A_509 = arith.constant 4 : i32
      %gather3A_510 = arith.constant 0 : i32
      %gather3A_511 = arith.constant 0 : i32
      %gather3A_512 = tpu.memref_slice %arg7[%gather3A_509, %gather3A_510, %gather3A_511] : memref<8x64x128xf32, #tpu.memory_space<vmem>> -> memref<1x64x128xf32, #tpu.memory_space<vmem>>
      %gather3A_513 = tpu.memref_squeeze %gather3A_512 : memref<1x64x128xf32, #tpu.memory_space<vmem>> -> memref<64x128xf32, #tpu.memory_space<vmem>>
      %gather3A_514 = tpu.vector_load_idx %gather3A_513[%add3A_508, %broadcast_in_dim3A_504] : memref<64x128xf32, #tpu.memory_space<vmem>>[vector<16xi32>, vector<16xi32>], vector<16xf32>,
      %get3A_515 = arith.constant 256 : index
      %get3A_516 = tpu.vector_load %arg10[%get3A_515] {strides = array<i32>} : memref<512xf32, #tpu.memory_space<vmem>>, vector<16xf32>,
      %add3A_517 = arith.addf %gather3A_514, %get3A_516 : vector<16xf32>
      %swap3A_518 = arith.constant 4 : i32
      %swap3A_519 = arith.index_cast %swap3A_518 : i32 to index
      %swap3A_520 = arith.constant 0 : index
      %swap3A_521 = tpu.vector_load %arg9[%swap3A_519, %swap3A_520] {strides = array<i32>} : memref<8x64xf32, #tpu.memory_space<vmem>>, vector<16xf32>,
      tpu.vector_store %arg9[%swap3A_519, %swap3A_520], %add3A_517 {strides = array<i32>} : memref<8x64xf32, #tpu.memory_space<vmem>>, vector<16xf32>,
      %iota3A_522 = tpu.iota {dimensions = array<i32: 0>} : vector<16xi32>
      %add3A_523 = arith.constant 16 : i32
      %add3A_524 = vector.broadcast %add3A_523 : i32 to vector<16xi32>
      %add3A_525 = arith.addi %iota3A_522, %add3A_524 : vector<16xi32>
      %gather3A_526 = arith.constant 4 : i32
      %gather3A_527 = arith.constant 0 : i32
      %gather3A_528 = arith.constant 0 : i32
      %gather3A_529 = tpu.memref_slice %arg7[%gather3A_526, %gather3A_527, %gather3A_528] : memref<8x64x128xf32, #tpu.memory_space<vmem>> -> memref<1x64x128xf32, #tpu.memory_space<vmem>>
      %gather3A_530 = tpu.memref_squeeze %gather3A_529 : memref<1x64x128xf32, #tpu.memory_space<vmem>> -> memref<64x128xf32, #tpu.memory_space<vmem>>
      %gather3A_531 = tpu.vector_load_idx %gather3A_530[%add3A_525, %broadcast_in_dim3A_504] : memref<64x128xf32, #tpu.memory_space<vmem>>[vector<16xi32>, vector<16xi32>], vector<16xf32>,
      %get3A_532 = arith.constant 272 : index
      %get3A_533 = tpu.vector_load %arg10[%get3A_532] {strides = array<i32>} : memref<512xf32, #tpu.memory_space<vmem>>, vector<16xf32>,
      %add3A_534 = arith.addf %gather3A_531, %get3A_533 : vector<16xf32>
      %swap3A_535 = arith.constant 4 : i32
      %swap3A_536 = arith.index_cast %swap3A_535 : i32 to index
      %swap3A_537 = arith.constant 16 : index
      %swap3A_538 = tpu.vector_load %arg9[%swap3A_536, %swap3A_537] {strides = array<i32>} : memref<8x64xf32, #tpu.memory_space<vmem>>, vector<16xf32>,
      tpu.vector_store %arg9[%swap3A_536, %swap3A_537], %add3A_534 {strides = array<i32>} : memref<8x64xf32, #tpu.memory_space<vmem>>, vector<16xf32>,
      %iota3A_539 = tpu.iota {dimensions = array<i32: 0>} : vector<16xi32>
      %add3A_540 = arith.constant 32 : i32
      %add3A_541 = vector.broadcast %add3A_540 : i32 to vector<16xi32>
      %add3A_542 = arith.addi %iota3A_539, %add3A_541 : vector<16xi32>
      %gather3A_543 = arith.constant 4 : i32
      %gather3A_544 = arith.constant 0 : i32
      %gather3A_545 = arith.constant 0 : i32
      %gather3A_546 = tpu.memref_slice %arg7[%gather3A_543, %gather3A_544, %gather3A_545] : memref<8x64x128xf32, #tpu.memory_space<vmem>> -> memref<1x64x128xf32, #tpu.memory_space<vmem>>
      %gather3A_547 = tpu.memref_squeeze %gather3A_546 : memref<1x64x128xf32, #tpu.memory_space<vmem>> -> memref<64x128xf32, #tpu.memory_space<vmem>>
      %gather3A_548 = tpu.vector_load_idx %gather3A_547[%add3A_542, %broadcast_in_dim3A_504] : memref<64x128xf32, #tpu.memory_space<vmem>>[vector<16xi32>, vector<16xi32>], vector<16xf32>,
      %get3A_549 = arith.constant 288 : index
      %get3A_550 = tpu.vector_load %arg10[%get3A_549] {strides = array<i32>} : memref<512xf32, #tpu.memory_space<vmem>>, vector<16xf32>,
      %add3A_551 = arith.addf %gather3A_548, %get3A_550 : vector<16xf32>
      %swap3A_552 = arith.constant 4 : i32
      %swap3A_553 = arith.index_cast %swap3A_552 : i32 to index
      %swap3A_554 = arith.constant 32 : index
      %swap3A_555 = tpu.vector_load %arg9[%swap3A_553, %swap3A_554] {strides = array<i32>} : memref<8x64xf32, #tpu.memory_space<vmem>>, vector<16xf32>,
      tpu.vector_store %arg9[%swap3A_553, %swap3A_554], %add3A_551 {strides = array<i32>} : memref<8x64xf32, #tpu.memory_space<vmem>>, vector<16xf32>,
      %iota3A_556 = tpu.iota {dimensions = array<i32: 0>} : vector<16xi32>
      %add3A_557 = arith.constant 48 : i32
      %add3A_558 = vector.broadcast %add3A_557 : i32 to vector<16xi32>
      %add3A_559 = arith.addi %iota3A_556, %add3A_558 : vector<16xi32>
      %gather3A_560 = arith.constant 4 : i32
      %gather3A_561 = arith.constant 0 : i32
      %gather3A_562 = arith.constant 0 : i32
      %gather3A_563 = tpu.memref_slice %arg7[%gather3A_560, %gather3A_561, %gather3A_562] : memref<8x64x128xf32, #tpu.memory_space<vmem>> -> memref<1x64x128xf32, #tpu.memory_space<vmem>>
      %gather3A_564 = tpu.memref_squeeze %gather3A_563 : memref<1x64x128xf32, #tpu.memory_space<vmem>> -> memref<64x128xf32, #tpu.memory_space<vmem>>
      %gather3A_565 = tpu.vector_load_idx %gather3A_564[%add3A_559, %broadcast_in_dim3A_504] : memref<64x128xf32, #tpu.memory_space<vmem>>[vector<16xi32>, vector<16xi32>], vector<16xf32>,
      %get3A_566 = arith.constant 304 : index
      %get3A_567 = tpu.vector_load %arg10[%get3A_566] {strides = array<i32>} : memref<512xf32, #tpu.memory_space<vmem>>, vector<16xf32>,
      %add3A_568 = arith.addf %gather3A_565, %get3A_567 : vector<16xf32>
      %swap3A_569 = arith.constant 4 : i32
      %swap3A_570 = arith.index_cast %swap3A_569 : i32 to index
      %swap3A_571 = arith.constant 48 : index
      %swap3A_572 = tpu.vector_load %arg9[%swap3A_570, %swap3A_571] {strides = array<i32>} : memref<8x64xf32, #tpu.memory_space<vmem>>, vector<16xf32>,
      tpu.vector_store %arg9[%swap3A_570, %swap3A_571], %add3A_568 {strides = array<i32>} : memref<8x64xf32, #tpu.memory_space<vmem>>, vector<16xf32>,
      %dma_wait3A_573 = arith.constant 5 : i32
      %dma_wait3A_574 = arith.constant 0 : i32
      %dma_wait3A_575 = arith.constant 0 : i32
      %dma_wait3A_576 = tpu.memref_slice %arg7[%dma_wait3A_573, %dma_wait3A_574, %dma_wait3A_575] : memref<8x64x128xf32, #tpu.memory_space<vmem>> -> memref<1x64x128xf32, #tpu.memory_space<vmem>>
      %dma_wait3A_577 = tpu.memref_squeeze %dma_wait3A_576 : memref<1x64x128xf32, #tpu.memory_space<vmem>> -> memref<64x128xf32, #tpu.memory_space<vmem>>
      %dma_wait3A_578 = arith.constant 0 : i32
      %dma_wait3A_579 = tpu.memref_slice %arg2[%dma_wait3A_578, %multiple_of3A_110] : memref<64x1000000xf32, #tpu.memory_space<hbm>> -> memref<64x128xf32, #tpu.memory_space<hbm>>
      %dma_wait3A_580 = arith.constant 0 : i32
      %dma_wait3A_581 = arith.constant 0 : i32
      %dma_wait3A_582 = tpu.memref_slice %arg7[%dma_wait3A_573, %dma_wait3A_580, %dma_wait3A_581] : memref<8x64x128xf32, #tpu.memory_space<vmem>> -> memref<1x64x128xf32, #tpu.memory_space<vmem>>
      %dma_wait3A_583 = tpu.memref_squeeze %dma_wait3A_582 : memref<1x64x128xf32, #tpu.memory_space<vmem>> -> memref<64x128xf32, #tpu.memory_space<vmem>>
      %dma_wait3A_584 = arith.constant 0 : i32
      %dma_wait3A_585 = tpu.memref_slice %arg2[%dma_wait3A_584, %multiple_of3A_110] : memref<64x1000000xf32, #tpu.memory_space<hbm>> -> memref<64x128xf32, #tpu.memory_space<hbm>>
      tpu.wait_dma2 semaphore(%arg16 : memref<!tpu.dma_semaphore, #tpu.memory_space<semaphore_mem>>) src(%dma_wait3A_585 : memref<64x128xf32, #tpu.memory_space<hbm>>) dst(%dma_wait3A_583 : memref<64x128xf32, #tpu.memory_space<vmem>>)
      %slice3A_586 = vector.extract_strided_slice %min3A_14 {offsets = [5], sizes = [1], strides = [1]} : vector<16xi32> to vector<1xi32>
      %squeeze3A_587 = vector.extract %slice3A_586[0] : i32 from vector<1xi32>
      %broadcast_in_dim3A_588 = vector.broadcast %squeeze3A_587 : i32 to vector<16xi32>
      %iota3A_589 = tpu.iota {dimensions = array<i32: 0>} : vector<16xi32>
      %add3A_590 = arith.constant 0 : i32
      %add3A_591 = vector.broadcast %add3A_590 : i32 to vector<16xi32>
      %add3A_592 = arith.addi %iota3A_589, %add3A_591 : vector<16xi32>
      %gather3A_593 = arith.constant 5 : i32
      %gather3A_594 = arith.constant 0 : i32
      %gather3A_595 = arith.constant 0 : i32
      %gather3A_596 = tpu.memref_slice %arg7[%gather3A_593, %gather3A_594, %gather3A_595] : memref<8x64x128xf32, #tpu.memory_space<vmem>> -> memref<1x64x128xf32, #tpu.memory_space<vmem>>
      %gather3A_597 = tpu.memref_squeeze %gather3A_596 : memref<1x64x128xf32, #tpu.memory_space<vmem>> -> memref<64x128xf32, #tpu.memory_space<vmem>>
      %gather3A_598 = tpu.vector_load_idx %gather3A_597[%add3A_592, %broadcast_in_dim3A_588] : memref<64x128xf32, #tpu.memory_space<vmem>>[vector<16xi32>, vector<16xi32>], vector<16xf32>,
      %get3A_599 = arith.constant 320 : index
      %get3A_600 = tpu.vector_load %arg10[%get3A_599] {strides = array<i32>} : memref<512xf32, #tpu.memory_space<vmem>>, vector<16xf32>,
      %add3A_601 = arith.addf %gather3A_598, %get3A_600 : vector<16xf32>
      %swap3A_602 = arith.constant 5 : i32
      %swap3A_603 = arith.index_cast %swap3A_602 : i32 to index
      %swap3A_604 = arith.constant 0 : index
      %swap3A_605 = tpu.vector_load %arg9[%swap3A_603, %swap3A_604] {strides = array<i32>} : memref<8x64xf32, #tpu.memory_space<vmem>>, vector<16xf32>,
      tpu.vector_store %arg9[%swap3A_603, %swap3A_604], %add3A_601 {strides = array<i32>} : memref<8x64xf32, #tpu.memory_space<vmem>>, vector<16xf32>,
      %iota3A_606 = tpu.iota {dimensions = array<i32: 0>} : vector<16xi32>
      %add3A_607 = arith.constant 16 : i32
      %add3A_608 = vector.broadcast %add3A_607 : i32 to vector<16xi32>
      %add3A_609 = arith.addi %iota3A_606, %add3A_608 : vector<16xi32>
      %gather3A_610 = arith.constant 5 : i32
      %gather3A_611 = arith.constant 0 : i32
      %gather3A_612 = arith.constant 0 : i32
      %gather3A_613 = tpu.memref_slice %arg7[%gather3A_610, %gather3A_611, %gather3A_612] : memref<8x64x128xf32, #tpu.memory_space<vmem>> -> memref<1x64x128xf32, #tpu.memory_space<vmem>>
      %gather3A_614 = tpu.memref_squeeze %gather3A_613 : memref<1x64x128xf32, #tpu.memory_space<vmem>> -> memref<64x128xf32, #tpu.memory_space<vmem>>
      %gather3A_615 = tpu.vector_load_idx %gather3A_614[%add3A_609, %broadcast_in_dim3A_588] : memref<64x128xf32, #tpu.memory_space<vmem>>[vector<16xi32>, vector<16xi32>], vector<16xf32>,
      %get3A_616 = arith.constant 336 : index
      %get3A_617 = tpu.vector_load %arg10[%get3A_616] {strides = array<i32>} : memref<512xf32, #tpu.memory_space<vmem>>, vector<16xf32>,
      %add3A_618 = arith.addf %gather3A_615, %get3A_617 : vector<16xf32>
      %swap3A_619 = arith.constant 5 : i32
      %swap3A_620 = arith.index_cast %swap3A_619 : i32 to index
      %swap3A_621 = arith.constant 16 : index
      %swap3A_622 = tpu.vector_load %arg9[%swap3A_620, %swap3A_621] {strides = array<i32>} : memref<8x64xf32, #tpu.memory_space<vmem>>, vector<16xf32>,
      tpu.vector_store %arg9[%swap3A_620, %swap3A_621], %add3A_618 {strides = array<i32>} : memref<8x64xf32, #tpu.memory_space<vmem>>, vector<16xf32>,
      %iota3A_623 = tpu.iota {dimensions = array<i32: 0>} : vector<16xi32>
      %add3A_624 = arith.constant 32 : i32
      %add3A_625 = vector.broadcast %add3A_624 : i32 to vector<16xi32>
      %add3A_626 = arith.addi %iota3A_623, %add3A_625 : vector<16xi32>
      %gather3A_627 = arith.constant 5 : i32
      %gather3A_628 = arith.constant 0 : i32
      %gather3A_629 = arith.constant 0 : i32
      %gather3A_630 = tpu.memref_slice %arg7[%gather3A_627, %gather3A_628, %gather3A_629] : memref<8x64x128xf32, #tpu.memory_space<vmem>> -> memref<1x64x128xf32, #tpu.memory_space<vmem>>
      %gather3A_631 = tpu.memref_squeeze %gather3A_630 : memref<1x64x128xf32, #tpu.memory_space<vmem>> -> memref<64x128xf32, #tpu.memory_space<vmem>>
      %gather3A_632 = tpu.vector_load_idx %gather3A_631[%add3A_626, %broadcast_in_dim3A_588] : memref<64x128xf32, #tpu.memory_space<vmem>>[vector<16xi32>, vector<16xi32>], vector<16xf32>,
      %get3A_633 = arith.constant 352 : index
      %get3A_634 = tpu.vector_load %arg10[%get3A_633] {strides = array<i32>} : memref<512xf32, #tpu.memory_space<vmem>>, vector<16xf32>,
      %add3A_635 = arith.addf %gather3A_632, %get3A_634 : vector<16xf32>
      %swap3A_636 = arith.constant 5 : i32
      %swap3A_637 = arith.index_cast %swap3A_636 : i32 to index
      %swap3A_638 = arith.constant 32 : index
      %swap3A_639 = tpu.vector_load %arg9[%swap3A_637, %swap3A_638] {strides = array<i32>} : memref<8x64xf32, #tpu.memory_space<vmem>>, vector<16xf32>,
      tpu.vector_store %arg9[%swap3A_637, %swap3A_638], %add3A_635 {strides = array<i32>} : memref<8x64xf32, #tpu.memory_space<vmem>>, vector<16xf32>,
      %iota3A_640 = tpu.iota {dimensions = array<i32: 0>} : vector<16xi32>
      %add3A_641 = arith.constant 48 : i32
      %add3A_642 = vector.broadcast %add3A_641 : i32 to vector<16xi32>
      %add3A_643 = arith.addi %iota3A_640, %add3A_642 : vector<16xi32>
      %gather3A_644 = arith.constant 5 : i32
      %gather3A_645 = arith.constant 0 : i32
      %gather3A_646 = arith.constant 0 : i32
      %gather3A_647 = tpu.memref_slice %arg7[%gather3A_644, %gather3A_645, %gather3A_646] : memref<8x64x128xf32, #tpu.memory_space<vmem>> -> memref<1x64x128xf32, #tpu.memory_space<vmem>>
      %gather3A_648 = tpu.memref_squeeze %gather3A_647 : memref<1x64x128xf32, #tpu.memory_space<vmem>> -> memref<64x128xf32, #tpu.memory_space<vmem>>
      %gather3A_649 = tpu.vector_load_idx %gather3A_648[%add3A_643, %broadcast_in_dim3A_588] : memref<64x128xf32, #tpu.memory_space<vmem>>[vector<16xi32>, vector<16xi32>], vector<16xf32>,
      %get3A_650 = arith.constant 368 : index
      %get3A_651 = tpu.vector_load %arg10[%get3A_650] {strides = array<i32>} : memref<512xf32, #tpu.memory_space<vmem>>, vector<16xf32>,
      %add3A_652 = arith.addf %gather3A_649, %get3A_651 : vector<16xf32>
      %swap3A_653 = arith.constant 5 : i32
      %swap3A_654 = arith.index_cast %swap3A_653 : i32 to index
      %swap3A_655 = arith.constant 48 : index
      %swap3A_656 = tpu.vector_load %arg9[%swap3A_654, %swap3A_655] {strides = array<i32>} : memref<8x64xf32, #tpu.memory_space<vmem>>, vector<16xf32>,
      tpu.vector_store %arg9[%swap3A_654, %swap3A_655], %add3A_652 {strides = array<i32>} : memref<8x64xf32, #tpu.memory_space<vmem>>, vector<16xf32>,
      %dma_wait3A_657 = arith.constant 6 : i32
      %dma_wait3A_658 = arith.constant 0 : i32
      %dma_wait3A_659 = arith.constant 0 : i32
      %dma_wait3A_660 = tpu.memref_slice %arg7[%dma_wait3A_657, %dma_wait3A_658, %dma_wait3A_659] : memref<8x64x128xf32, #tpu.memory_space<vmem>> -> memref<1x64x128xf32, #tpu.memory_space<vmem>>
      %dma_wait3A_661 = tpu.memref_squeeze %dma_wait3A_660 : memref<1x64x128xf32, #tpu.memory_space<vmem>> -> memref<64x128xf32, #tpu.memory_space<vmem>>
      %dma_wait3A_662 = arith.constant 0 : i32
      %dma_wait3A_663 = tpu.memref_slice %arg2[%dma_wait3A_662, %multiple_of3A_126] : memref<64x1000000xf32, #tpu.memory_space<hbm>> -> memref<64x128xf32, #tpu.memory_space<hbm>>
      %dma_wait3A_664 = arith.constant 0 : i32
      %dma_wait3A_665 = arith.constant 0 : i32
      %dma_wait3A_666 = tpu.memref_slice %arg7[%dma_wait3A_657, %dma_wait3A_664, %dma_wait3A_665] : memref<8x64x128xf32, #tpu.memory_space<vmem>> -> memref<1x64x128xf32, #tpu.memory_space<vmem>>
      %dma_wait3A_667 = tpu.memref_squeeze %dma_wait3A_666 : memref<1x64x128xf32, #tpu.memory_space<vmem>> -> memref<64x128xf32, #tpu.memory_space<vmem>>
      %dma_wait3A_668 = arith.constant 0 : i32
      %dma_wait3A_669 = tpu.memref_slice %arg2[%dma_wait3A_668, %multiple_of3A_126] : memref<64x1000000xf32, #tpu.memory_space<hbm>> -> memref<64x128xf32, #tpu.memory_space<hbm>>
      tpu.wait_dma2 semaphore(%arg17 : memref<!tpu.dma_semaphore, #tpu.memory_space<semaphore_mem>>) src(%dma_wait3A_669 : memref<64x128xf32, #tpu.memory_space<hbm>>) dst(%dma_wait3A_667 : memref<64x128xf32, #tpu.memory_space<vmem>>)
      %slice3A_670 = vector.extract_strided_slice %min3A_14 {offsets = [6], sizes = [1], strides = [1]} : vector<16xi32> to vector<1xi32>
      %squeeze3A_671 = vector.extract %slice3A_670[0] : i32 from vector<1xi32>
      %broadcast_in_dim3A_672 = vector.broadcast %squeeze3A_671 : i32 to vector<16xi32>
      %iota3A_673 = tpu.iota {dimensions = array<i32: 0>} : vector<16xi32>
      %add3A_674 = arith.constant 0 : i32
      %add3A_675 = vector.broadcast %add3A_674 : i32 to vector<16xi32>
      %add3A_676 = arith.addi %iota3A_673, %add3A_675 : vector<16xi32>
      %gather3A_677 = arith.constant 6 : i32
      %gather3A_678 = arith.constant 0 : i32
      %gather3A_679 = arith.constant 0 : i32
      %gather3A_680 = tpu.memref_slice %arg7[%gather3A_677, %gather3A_678, %gather3A_679] : memref<8x64x128xf32, #tpu.memory_space<vmem>> -> memref<1x64x128xf32, #tpu.memory_space<vmem>>
      %gather3A_681 = tpu.memref_squeeze %gather3A_680 : memref<1x64x128xf32, #tpu.memory_space<vmem>> -> memref<64x128xf32, #tpu.memory_space<vmem>>
      %gather3A_682 = tpu.vector_load_idx %gather3A_681[%add3A_676, %broadcast_in_dim3A_672] : memref<64x128xf32, #tpu.memory_space<vmem>>[vector<16xi32>, vector<16xi32>], vector<16xf32>,
      %get3A_683 = arith.constant 384 : index
      %get3A_684 = tpu.vector_load %arg10[%get3A_683] {strides = array<i32>} : memref<512xf32, #tpu.memory_space<vmem>>, vector<16xf32>,
      %add3A_685 = arith.addf %gather3A_682, %get3A_684 : vector<16xf32>
      %swap3A_686 = arith.constant 6 : i32
      %swap3A_687 = arith.index_cast %swap3A_686 : i32 to index
      %swap3A_688 = arith.constant 0 : index
      %swap3A_689 = tpu.vector_load %arg9[%swap3A_687, %swap3A_688] {strides = array<i32>} : memref<8x64xf32, #tpu.memory_space<vmem>>, vector<16xf32>,
      tpu.vector_store %arg9[%swap3A_687, %swap3A_688], %add3A_685 {strides = array<i32>} : memref<8x64xf32, #tpu.memory_space<vmem>>, vector<16xf32>,
      %iota3A_690 = tpu.iota {dimensions = array<i32: 0>} : vector<16xi32>
      %add3A_691 = arith.constant 16 : i32
      %add3A_692 = vector.broadcast %add3A_691 : i32 to vector<16xi32>
      %add3A_693 = arith.addi %iota3A_690, %add3A_692 : vector<16xi32>
      %gather3A_694 = arith.constant 6 : i32
      %gather3A_695 = arith.constant 0 : i32
      %gather3A_696 = arith.constant 0 : i32
      %gather3A_697 = tpu.memref_slice %arg7[%gather3A_694, %gather3A_695, %gather3A_696] : memref<8x64x128xf32, #tpu.memory_space<vmem>> -> memref<1x64x128xf32, #tpu.memory_space<vmem>>
      %gather3A_698 = tpu.memref_squeeze %gather3A_697 : memref<1x64x128xf32, #tpu.memory_space<vmem>> -> memref<64x128xf32, #tpu.memory_space<vmem>>
      %gather3A_699 = tpu.vector_load_idx %gather3A_698[%add3A_693, %broadcast_in_dim3A_672] : memref<64x128xf32, #tpu.memory_space<vmem>>[vector<16xi32>, vector<16xi32>], vector<16xf32>,
      %get3A_700 = arith.constant 400 : index
      %get3A_701 = tpu.vector_load %arg10[%get3A_700] {strides = array<i32>} : memref<512xf32, #tpu.memory_space<vmem>>, vector<16xf32>,
      %add3A_702 = arith.addf %gather3A_699, %get3A_701 : vector<16xf32>
      %swap3A_703 = arith.constant 6 : i32
      %swap3A_704 = arith.index_cast %swap3A_703 : i32 to index
      %swap3A_705 = arith.constant 16 : index
      %swap3A_706 = tpu.vector_load %arg9[%swap3A_704, %swap3A_705] {strides = array<i32>} : memref<8x64xf32, #tpu.memory_space<vmem>>, vector<16xf32>,
      tpu.vector_store %arg9[%swap3A_704, %swap3A_705], %add3A_702 {strides = array<i32>} : memref<8x64xf32, #tpu.memory_space<vmem>>, vector<16xf32>,
      %iota3A_707 = tpu.iota {dimensions = array<i32: 0>} : vector<16xi32>
      %add3A_708 = arith.constant 32 : i32
      %add3A_709 = vector.broadcast %add3A_708 : i32 to vector<16xi32>
      %add3A_710 = arith.addi %iota3A_707, %add3A_709 : vector<16xi32>
      %gather3A_711 = arith.constant 6 : i32
      %gather3A_712 = arith.constant 0 : i32
      %gather3A_713 = arith.constant 0 : i32
      %gather3A_714 = tpu.memref_slice %arg7[%gather3A_711, %gather3A_712, %gather3A_713] : memref<8x64x128xf32, #tpu.memory_space<vmem>> -> memref<1x64x128xf32, #tpu.memory_space<vmem>>
      %gather3A_715 = tpu.memref_squeeze %gather3A_714 : memref<1x64x128xf32, #tpu.memory_space<vmem>> -> memref<64x128xf32, #tpu.memory_space<vmem>>
      %gather3A_716 = tpu.vector_load_idx %gather3A_715[%add3A_710, %broadcast_in_dim3A_672] : memref<64x128xf32, #tpu.memory_space<vmem>>[vector<16xi32>, vector<16xi32>], vector<16xf32>,
      %get3A_717 = arith.constant 416 : index
      %get3A_718 = tpu.vector_load %arg10[%get3A_717] {strides = array<i32>} : memref<512xf32, #tpu.memory_space<vmem>>, vector<16xf32>,
      %add3A_719 = arith.addf %gather3A_716, %get3A_718 : vector<16xf32>
      %swap3A_720 = arith.constant 6 : i32
      %swap3A_721 = arith.index_cast %swap3A_720 : i32 to index
      %swap3A_722 = arith.constant 32 : index
      %swap3A_723 = tpu.vector_load %arg9[%swap3A_721, %swap3A_722] {strides = array<i32>} : memref<8x64xf32, #tpu.memory_space<vmem>>, vector<16xf32>,
      tpu.vector_store %arg9[%swap3A_721, %swap3A_722], %add3A_719 {strides = array<i32>} : memref<8x64xf32, #tpu.memory_space<vmem>>, vector<16xf32>,
      %iota3A_724 = tpu.iota {dimensions = array<i32: 0>} : vector<16xi32>
      %add3A_725 = arith.constant 48 : i32
      %add3A_726 = vector.broadcast %add3A_725 : i32 to vector<16xi32>
      %add3A_727 = arith.addi %iota3A_724, %add3A_726 : vector<16xi32>
      %gather3A_728 = arith.constant 6 : i32
      %gather3A_729 = arith.constant 0 : i32
      %gather3A_730 = arith.constant 0 : i32
      %gather3A_731 = tpu.memref_slice %arg7[%gather3A_728, %gather3A_729, %gather3A_730] : memref<8x64x128xf32, #tpu.memory_space<vmem>> -> memref<1x64x128xf32, #tpu.memory_space<vmem>>
      %gather3A_732 = tpu.memref_squeeze %gather3A_731 : memref<1x64x128xf32, #tpu.memory_space<vmem>> -> memref<64x128xf32, #tpu.memory_space<vmem>>
      %gather3A_733 = tpu.vector_load_idx %gather3A_732[%add3A_727, %broadcast_in_dim3A_672] : memref<64x128xf32, #tpu.memory_space<vmem>>[vector<16xi32>, vector<16xi32>], vector<16xf32>,
      %get3A_734 = arith.constant 432 : index
      %get3A_735 = tpu.vector_load %arg10[%get3A_734] {strides = array<i32>} : memref<512xf32, #tpu.memory_space<vmem>>, vector<16xf32>,
      %add3A_736 = arith.addf %gather3A_733, %get3A_735 : vector<16xf32>
      %swap3A_737 = arith.constant 6 : i32
      %swap3A_738 = arith.index_cast %swap3A_737 : i32 to index
      %swap3A_739 = arith.constant 48 : index
      %swap3A_740 = tpu.vector_load %arg9[%swap3A_738, %swap3A_739] {strides = array<i32>} : memref<8x64xf32, #tpu.memory_space<vmem>>, vector<16xf32>,
      tpu.vector_store %arg9[%swap3A_738, %swap3A_739], %add3A_736 {strides = array<i32>} : memref<8x64xf32, #tpu.memory_space<vmem>>, vector<16xf32>,
      %dma_wait3A_741 = arith.constant 7 : i32
      %dma_wait3A_742 = arith.constant 0 : i32
      %dma_wait3A_743 = arith.constant 0 : i32
      %dma_wait3A_744 = tpu.memref_slice %arg7[%dma_wait3A_741, %dma_wait3A_742, %dma_wait3A_743] : memref<8x64x128xf32, #tpu.memory_space<vmem>> -> memref<1x64x128xf32, #tpu.memory_space<vmem>>
      %dma_wait3A_745 = tpu.memref_squeeze %dma_wait3A_744 : memref<1x64x128xf32, #tpu.memory_space<vmem>> -> memref<64x128xf32, #tpu.memory_space<vmem>>
      %dma_wait3A_746 = arith.constant 0 : i32
      %dma_wait3A_747 = tpu.memref_slice %arg2[%dma_wait3A_746, %multiple_of3A_142] : memref<64x1000000xf32, #tpu.memory_space<hbm>> -> memref<64x128xf32, #tpu.memory_space<hbm>>
      %dma_wait3A_748 = arith.constant 0 : i32
      %dma_wait3A_749 = arith.constant 0 : i32
      %dma_wait3A_750 = tpu.memref_slice %arg7[%dma_wait3A_741, %dma_wait3A_748, %dma_wait3A_749] : memref<8x64x128xf32, #tpu.memory_space<vmem>> -> memref<1x64x128xf32, #tpu.memory_space<vmem>>
      %dma_wait3A_751 = tpu.memref_squeeze %dma_wait3A_750 : memref<1x64x128xf32, #tpu.memory_space<vmem>> -> memref<64x128xf32, #tpu.memory_space<vmem>>
      %dma_wait3A_752 = arith.constant 0 : i32
      %dma_wait3A_753 = tpu.memref_slice %arg2[%dma_wait3A_752, %multiple_of3A_142] : memref<64x1000000xf32, #tpu.memory_space<hbm>> -> memref<64x128xf32, #tpu.memory_space<hbm>>
      tpu.wait_dma2 semaphore(%arg18 : memref<!tpu.dma_semaphore, #tpu.memory_space<semaphore_mem>>) src(%dma_wait3A_753 : memref<64x128xf32, #tpu.memory_space<hbm>>) dst(%dma_wait3A_751 : memref<64x128xf32, #tpu.memory_space<vmem>>)
      %slice3A_754 = vector.extract_strided_slice %min3A_14 {offsets = [7], sizes = [1], strides = [1]} : vector<16xi32> to vector<1xi32>
      %squeeze3A_755 = vector.extract %slice3A_754[0] : i32 from vector<1xi32>
      %broadcast_in_dim3A_756 = vector.broadcast %squeeze3A_755 : i32 to vector<16xi32>
      %iota3A_757 = tpu.iota {dimensions = array<i32: 0>} : vector<16xi32>
      %add3A_758 = arith.constant 0 : i32
      %add3A_759 = vector.broadcast %add3A_758 : i32 to vector<16xi32>
      %add3A_760 = arith.addi %iota3A_757, %add3A_759 : vector<16xi32>
      %gather3A_761 = arith.constant 7 : i32
      %gather3A_762 = arith.constant 0 : i32
      %gather3A_763 = arith.constant 0 : i32
      %gather3A_764 = tpu.memref_slice %arg7[%gather3A_761, %gather3A_762, %gather3A_763] : memref<8x64x128xf32, #tpu.memory_space<vmem>> -> memref<1x64x128xf32, #tpu.memory_space<vmem>>
      %gather3A_765 = tpu.memref_squeeze %gather3A_764 : memref<1x64x128xf32, #tpu.memory_space<vmem>> -> memref<64x128xf32, #tpu.memory_space<vmem>>
      %gather3A_766 = tpu.vector_load_idx %gather3A_765[%add3A_760, %broadcast_in_dim3A_756] : memref<64x128xf32, #tpu.memory_space<vmem>>[vector<16xi32>, vector<16xi32>], vector<16xf32>,
      %get3A_767 = arith.constant 448 : index
      %get3A_768 = tpu.vector_load %arg10[%get3A_767] {strides = array<i32>} : memref<512xf32, #tpu.memory_space<vmem>>, vector<16xf32>,
      %add3A_769 = arith.addf %gather3A_766, %get3A_768 : vector<16xf32>
      %swap3A_770 = arith.constant 7 : i32
      %swap3A_771 = arith.index_cast %swap3A_770 : i32 to index
      %swap3A_772 = arith.constant 0 : index
      %swap3A_773 = tpu.vector_load %arg9[%swap3A_771, %swap3A_772] {strides = array<i32>} : memref<8x64xf32, #tpu.memory_space<vmem>>, vector<16xf32>,
      tpu.vector_store %arg9[%swap3A_771, %swap3A_772], %add3A_769 {strides = array<i32>} : memref<8x64xf32, #tpu.memory_space<vmem>>, vector<16xf32>,
      %iota3A_774 = tpu.iota {dimensions = array<i32: 0>} : vector<16xi32>
      %add3A_775 = arith.constant 16 : i32
      %add3A_776 = vector.broadcast %add3A_775 : i32 to vector<16xi32>
      %add3A_777 = arith.addi %iota3A_774, %add3A_776 : vector<16xi32>
      %gather3A_778 = arith.constant 7 : i32
      %gather3A_779 = arith.constant 0 : i32
      %gather3A_780 = arith.constant 0 : i32
      %gather3A_781 = tpu.memref_slice %arg7[%gather3A_778, %gather3A_779, %gather3A_780] : memref<8x64x128xf32, #tpu.memory_space<vmem>> -> memref<1x64x128xf32, #tpu.memory_space<vmem>>
      %gather3A_782 = tpu.memref_squeeze %gather3A_781 : memref<1x64x128xf32, #tpu.memory_space<vmem>> -> memref<64x128xf32, #tpu.memory_space<vmem>>
      %gather3A_783 = tpu.vector_load_idx %gather3A_782[%add3A_777, %broadcast_in_dim3A_756] : memref<64x128xf32, #tpu.memory_space<vmem>>[vector<16xi32>, vector<16xi32>], vector<16xf32>,
      %get3A_784 = arith.constant 464 : index
      %get3A_785 = tpu.vector_load %arg10[%get3A_784] {strides = array<i32>} : memref<512xf32, #tpu.memory_space<vmem>>, vector<16xf32>,
      %add3A_786 = arith.addf %gather3A_783, %get3A_785 : vector<16xf32>
      %swap3A_787 = arith.constant 7 : i32
      %swap3A_788 = arith.index_cast %swap3A_787 : i32 to index
      %swap3A_789 = arith.constant 16 : index
      %swap3A_790 = tpu.vector_load %arg9[%swap3A_788, %swap3A_789] {strides = array<i32>} : memref<8x64xf32, #tpu.memory_space<vmem>>, vector<16xf32>,
      tpu.vector_store %arg9[%swap3A_788, %swap3A_789], %add3A_786 {strides = array<i32>} : memref<8x64xf32, #tpu.memory_space<vmem>>, vector<16xf32>,
      %iota3A_791 = tpu.iota {dimensions = array<i32: 0>} : vector<16xi32>
      %add3A_792 = arith.constant 32 : i32
      %add3A_793 = vector.broadcast %add3A_792 : i32 to vector<16xi32>
      %add3A_794 = arith.addi %iota3A_791, %add3A_793 : vector<16xi32>
      %gather3A_795 = arith.constant 7 : i32
      %gather3A_796 = arith.constant 0 : i32
      %gather3A_797 = arith.constant 0 : i32
      %gather3A_798 = tpu.memref_slice %arg7[%gather3A_795, %gather3A_796, %gather3A_797] : memref<8x64x128xf32, #tpu.memory_space<vmem>> -> memref<1x64x128xf32, #tpu.memory_space<vmem>>
      %gather3A_799 = tpu.memref_squeeze %gather3A_798 : memref<1x64x128xf32, #tpu.memory_space<vmem>> -> memref<64x128xf32, #tpu.memory_space<vmem>>
      %gather3A_800 = tpu.vector_load_idx %gather3A_799[%add3A_794, %broadcast_in_dim3A_756] : memref<64x128xf32, #tpu.memory_space<vmem>>[vector<16xi32>, vector<16xi32>], vector<16xf32>,
      %get3A_801 = arith.constant 480 : index
      %get3A_802 = tpu.vector_load %arg10[%get3A_801] {strides = array<i32>} : memref<512xf32, #tpu.memory_space<vmem>>, vector<16xf32>,
      %add3A_803 = arith.addf %gather3A_800, %get3A_802 : vector<16xf32>
      %swap3A_804 = arith.constant 7 : i32
      %swap3A_805 = arith.index_cast %swap3A_804 : i32 to index
      %swap3A_806 = arith.constant 32 : index
      %swap3A_807 = tpu.vector_load %arg9[%swap3A_805, %swap3A_806] {strides = array<i32>} : memref<8x64xf32, #tpu.memory_space<vmem>>, vector<16xf32>,
      tpu.vector_store %arg9[%swap3A_805, %swap3A_806], %add3A_803 {strides = array<i32>} : memref<8x64xf32, #tpu.memory_space<vmem>>, vector<16xf32>,
      %iota3A_808 = tpu.iota {dimensions = array<i32: 0>} : vector<16xi32>
      %add3A_809 = arith.constant 48 : i32
      %add3A_810 = vector.broadcast %add3A_809 : i32 to vector<16xi32>
      %add3A_811 = arith.addi %iota3A_808, %add3A_810 : vector<16xi32>
      %gather3A_812 = arith.constant 7 : i32
      %gather3A_813 = arith.constant 0 : i32
      %gather3A_814 = arith.constant 0 : i32
      %gather3A_815 = tpu.memref_slice %arg7[%gather3A_812, %gather3A_813, %gather3A_814] : memref<8x64x128xf32, #tpu.memory_space<vmem>> -> memref<1x64x128xf32, #tpu.memory_space<vmem>>
      %gather3A_816 = tpu.memref_squeeze %gather3A_815 : memref<1x64x128xf32, #tpu.memory_space<vmem>> -> memref<64x128xf32, #tpu.memory_space<vmem>>
      %gather3A_817 = tpu.vector_load_idx %gather3A_816[%add3A_811, %broadcast_in_dim3A_756] : memref<64x128xf32, #tpu.memory_space<vmem>>[vector<16xi32>, vector<16xi32>], vector<16xf32>,
      %get3A_818 = arith.constant 496 : index
      %get3A_819 = tpu.vector_load %arg10[%get3A_818] {strides = array<i32>} : memref<512xf32, #tpu.memory_space<vmem>>, vector<16xf32>,
      %add3A_820 = arith.addf %gather3A_817, %get3A_819 : vector<16xf32>
      %swap3A_821 = arith.constant 7 : i32
      %swap3A_822 = arith.index_cast %swap3A_821 : i32 to index
      %swap3A_823 = arith.constant 48 : index
      %swap3A_824 = tpu.vector_load %arg9[%swap3A_822, %swap3A_823] {strides = array<i32>} : memref<8x64xf32, #tpu.memory_space<vmem>>, vector<16xf32>,
      tpu.vector_store %arg9[%swap3A_822, %swap3A_823], %add3A_820 {strides = array<i32>} : memref<8x64xf32, #tpu.memory_space<vmem>>, vector<16xf32>,
      %dma_wait3A_825 = arith.constant 0 : i32
      %dma_wait3A_826 = arith.constant 999936 : i32
      %dma_wait3A_827 = tpu.memref_slice %arg2[%dma_wait3A_825, %dma_wait3A_826] : memref<64x1000000xf32, #tpu.memory_space<hbm>> -> memref<64x64xf32, #tpu.memory_space<hbm>>
      %dma_wait3A_828 = arith.constant 0 : i32
      %dma_wait3A_829 = arith.constant 999936 : i32
      %dma_wait3A_830 = tpu.memref_slice %arg2[%dma_wait3A_828, %dma_wait3A_829] : memref<64x1000000xf32, #tpu.memory_space<hbm>> -> memref<64x64xf32, #tpu.memory_space<hbm>>
      tpu.wait_dma2 semaphore(%arg20 : memref<!tpu.dma_semaphore, #tpu.memory_space<semaphore_mem>>) src(%dma_wait3A_830 : memref<64x64xf32, #tpu.memory_space<hbm>>) dst(%arg8 : memref<64x64xf32, #tpu.memory_space<vmem>>)
      %slice3A_831 = vector.extract_strided_slice %get3A_5 {offsets = [0], sizes = [1], strides = [1]} : vector<16xi32> to vector<1xi32>
      %squeeze3A_832 = vector.extract %slice3A_831[0] : i32 from vector<1xi32>
      %ge3A = arith.constant 999936 : i32
      %ge3A_833 = arith.cmpi sge, %squeeze3A_832, %ge3A : i32
      %convert_element_type3A_834 = arith.extui %ge3A_833 : i1 to i32
      %cond3A_835 = arith.constant 0 : i32
      %cond3A_836 = arith.cmpi ne, %convert_element_type3A_834, %cond3A_835 : i32
      scf.if %cond3A_836 {
        %slice3A_886 = vector.extract_strided_slice %min3A_21 {offsets = [0], sizes = [1], strides = [1]} : vector<16xi32> to vector<1xi32>
        %squeeze3A_887 = vector.extract %slice3A_886[0] : i32 from vector<1xi32>
        %broadcast_in_dim3A_888 = vector.broadcast %squeeze3A_887 : i32 to vector<16xi32>
        %iota3A_889 = tpu.iota {dimensions = array<i32: 0>} : vector<16xi32>
        %add3A_890 = arith.constant 0 : i32
        %add3A_891 = vector.broadcast %add3A_890 : i32 to vector<16xi32>
        %add3A_892 = arith.addi %iota3A_889, %add3A_891 : vector<16xi32>
        %gather3A_893 = tpu.vector_load_idx %arg8[%add3A_892, %broadcast_in_dim3A_888] : memref<64x64xf32, #tpu.memory_space<vmem>>[vector<16xi32>, vector<16xi32>], vector<16xf32>,
        %get3A_894 = arith.constant 0 : index
        %get3A_895 = tpu.vector_load %arg10[%get3A_894] {strides = array<i32>} : memref<512xf32, #tpu.memory_space<vmem>>, vector<16xf32>,
        %add3A_896 = arith.addf %gather3A_893, %get3A_895 : vector<16xf32>
        %swap3A_897 = arith.constant 0 : i32
        %swap3A_898 = arith.index_cast %swap3A_897 : i32 to index
        %swap3A_899 = arith.constant 0 : index
        %swap3A_900 = tpu.vector_load %arg9[%swap3A_898, %swap3A_899] {strides = array<i32>} : memref<8x64xf32, #tpu.memory_space<vmem>>, vector<16xf32>,
        tpu.vector_store %arg9[%swap3A_898, %swap3A_899], %add3A_896 {strides = array<i32>} : memref<8x64xf32, #tpu.memory_space<vmem>>, vector<16xf32>,
        %iota3A_901 = tpu.iota {dimensions = array<i32: 0>} : vector<16xi32>
        %add3A_902 = arith.constant 16 : i32
        %add3A_903 = vector.broadcast %add3A_902 : i32 to vector<16xi32>
        %add3A_904 = arith.addi %iota3A_901, %add3A_903 : vector<16xi32>
        %gather3A_905 = tpu.vector_load_idx %arg8[%add3A_904, %broadcast_in_dim3A_888] : memref<64x64xf32, #tpu.memory_space<vmem>>[vector<16xi32>, vector<16xi32>], vector<16xf32>,
        %get3A_906 = arith.constant 16 : index
        %get3A_907 = tpu.vector_load %arg10[%get3A_906] {strides = array<i32>} : memref<512xf32, #tpu.memory_space<vmem>>, vector<16xf32>,
        %add3A_908 = arith.addf %gather3A_905, %get3A_907 : vector<16xf32>
        %swap3A_909 = arith.constant 0 : i32
        %swap3A_910 = arith.index_cast %swap3A_909 : i32 to index
        %swap3A_911 = arith.constant 16 : index
        %swap3A_912 = tpu.vector_load %arg9[%swap3A_910, %swap3A_911] {strides = array<i32>} : memref<8x64xf32, #tpu.memory_space<vmem>>, vector<16xf32>,
        tpu.vector_store %arg9[%swap3A_910, %swap3A_911], %add3A_908 {strides = array<i32>} : memref<8x64xf32, #tpu.memory_space<vmem>>, vector<16xf32>,
        %iota3A_913 = tpu.iota {dimensions = array<i32: 0>} : vector<16xi32>
        %add3A_914 = arith.constant 32 : i32
        %add3A_915 = vector.broadcast %add3A_914 : i32 to vector<16xi32>
        %add3A_916 = arith.addi %iota3A_913, %add3A_915 : vector<16xi32>
        %gather3A_917 = tpu.vector_load_idx %arg8[%add3A_916, %broadcast_in_dim3A_888] : memref<64x64xf32, #tpu.memory_space<vmem>>[vector<16xi32>, vector<16xi32>], vector<16xf32>,
        %get3A_918 = arith.constant 32 : index
        %get3A_919 = tpu.vector_load %arg10[%get3A_918] {strides = array<i32>} : memref<512xf32, #tpu.memory_space<vmem>>, vector<16xf32>,
        %add3A_920 = arith.addf %gather3A_917, %get3A_919 : vector<16xf32>
        %swap3A_921 = arith.constant 0 : i32
        %swap3A_922 = arith.index_cast %swap3A_921 : i32 to index
        %swap3A_923 = arith.constant 32 : index
        %swap3A_924 = tpu.vector_load %arg9[%swap3A_922, %swap3A_923] {strides = array<i32>} : memref<8x64xf32, #tpu.memory_space<vmem>>, vector<16xf32>,
        tpu.vector_store %arg9[%swap3A_922, %swap3A_923], %add3A_920 {strides = array<i32>} : memref<8x64xf32, #tpu.memory_space<vmem>>, vector<16xf32>,
        %iota3A_925 = tpu.iota {dimensions = array<i32: 0>} : vector<16xi32>
        %add3A_926 = arith.constant 48 : i32
        %add3A_927 = vector.broadcast %add3A_926 : i32 to vector<16xi32>
        %add3A_928 = arith.addi %iota3A_925, %add3A_927 : vector<16xi32>
        %gather3A_929 = tpu.vector_load_idx %arg8[%add3A_928, %broadcast_in_dim3A_888] : memref<64x64xf32, #tpu.memory_space<vmem>>[vector<16xi32>, vector<16xi32>], vector<16xf32>,
        %get3A_930 = arith.constant 48 : index
        %get3A_931 = tpu.vector_load %arg10[%get3A_930] {strides = array<i32>} : memref<512xf32, #tpu.memory_space<vmem>>, vector<16xf32>,
        %add3A_932 = arith.addf %gather3A_929, %get3A_931 : vector<16xf32>
        %swap3A_933 = arith.constant 0 : i32
        %swap3A_934 = arith.index_cast %swap3A_933 : i32 to index
        %swap3A_935 = arith.constant 48 : index
        %swap3A_936 = tpu.vector_load %arg9[%swap3A_934, %swap3A_935] {strides = array<i32>} : memref<8x64xf32, #tpu.memory_space<vmem>>, vector<16xf32>,
        tpu.vector_store %arg9[%swap3A_934, %swap3A_935], %add3A_932 {strides = array<i32>} : memref<8x64xf32, #tpu.memory_space<vmem>>, vector<16xf32>,
      } else {
      }
      %slice3A_837 = vector.extract_strided_slice %get3A_5 {offsets = [1], sizes = [1], strides = [1]} : vector<16xi32> to vector<1xi32>
      %squeeze3A_838 = vector.extract %slice3A_837[0] : i32 from vector<1xi32>
      %ge3A_839 = arith.constant 999936 : i32
      %ge3A_840 = arith.cmpi sge, %squeeze3A_838, %ge3A_839 : i32
      %convert_element_type3A_841 = arith.extui %ge3A_840 : i1 to i32
      %cond3A_842 = arith.constant 0 : i32
      %cond3A_843 = arith.cmpi ne, %convert_element_type3A_841, %cond3A_842 : i32
      scf.if %cond3A_843 {
        %slice3A_886 = vector.extract_strided_slice %min3A_21 {offsets = [1], sizes = [1], strides = [1]} : vector<16xi32> to vector<1xi32>
        %squeeze3A_887 = vector.extract %slice3A_886[0] : i32 from vector<1xi32>
        %broadcast_in_dim3A_888 = vector.broadcast %squeeze3A_887 : i32 to vector<16xi32>
        %iota3A_889 = tpu.iota {dimensions = array<i32: 0>} : vector<16xi32>
        %add3A_890 = arith.constant 0 : i32
        %add3A_891 = vector.broadcast %add3A_890 : i32 to vector<16xi32>
        %add3A_892 = arith.addi %iota3A_889, %add3A_891 : vector<16xi32>
        %gather3A_893 = tpu.vector_load_idx %arg8[%add3A_892, %broadcast_in_dim3A_888] : memref<64x64xf32, #tpu.memory_space<vmem>>[vector<16xi32>, vector<16xi32>], vector<16xf32>,
        %get3A_894 = arith.constant 64 : index
        %get3A_895 = tpu.vector_load %arg10[%get3A_894] {strides = array<i32>} : memref<512xf32, #tpu.memory_space<vmem>>, vector<16xf32>,
        %add3A_896 = arith.addf %gather3A_893, %get3A_895 : vector<16xf32>
        %swap3A_897 = arith.constant 1 : i32
        %swap3A_898 = arith.index_cast %swap3A_897 : i32 to index
        %swap3A_899 = arith.constant 0 : index
        %swap3A_900 = tpu.vector_load %arg9[%swap3A_898, %swap3A_899] {strides = array<i32>} : memref<8x64xf32, #tpu.memory_space<vmem>>, vector<16xf32>,
        tpu.vector_store %arg9[%swap3A_898, %swap3A_899], %add3A_896 {strides = array<i32>} : memref<8x64xf32, #tpu.memory_space<vmem>>, vector<16xf32>,
        %iota3A_901 = tpu.iota {dimensions = array<i32: 0>} : vector<16xi32>
        %add3A_902 = arith.constant 16 : i32
        %add3A_903 = vector.broadcast %add3A_902 : i32 to vector<16xi32>
        %add3A_904 = arith.addi %iota3A_901, %add3A_903 : vector<16xi32>
        %gather3A_905 = tpu.vector_load_idx %arg8[%add3A_904, %broadcast_in_dim3A_888] : memref<64x64xf32, #tpu.memory_space<vmem>>[vector<16xi32>, vector<16xi32>], vector<16xf32>,
        %get3A_906 = arith.constant 80 : index
        %get3A_907 = tpu.vector_load %arg10[%get3A_906] {strides = array<i32>} : memref<512xf32, #tpu.memory_space<vmem>>, vector<16xf32>,
        %add3A_908 = arith.addf %gather3A_905, %get3A_907 : vector<16xf32>
        %swap3A_909 = arith.constant 1 : i32
        %swap3A_910 = arith.index_cast %swap3A_909 : i32 to index
        %swap3A_911 = arith.constant 16 : index
        %swap3A_912 = tpu.vector_load %arg9[%swap3A_910, %swap3A_911] {strides = array<i32>} : memref<8x64xf32, #tpu.memory_space<vmem>>, vector<16xf32>,
        tpu.vector_store %arg9[%swap3A_910, %swap3A_911], %add3A_908 {strides = array<i32>} : memref<8x64xf32, #tpu.memory_space<vmem>>, vector<16xf32>,
        %iota3A_913 = tpu.iota {dimensions = array<i32: 0>} : vector<16xi32>
        %add3A_914 = arith.constant 32 : i32
        %add3A_915 = vector.broadcast %add3A_914 : i32 to vector<16xi32>
        %add3A_916 = arith.addi %iota3A_913, %add3A_915 : vector<16xi32>
        %gather3A_917 = tpu.vector_load_idx %arg8[%add3A_916, %broadcast_in_dim3A_888] : memref<64x64xf32, #tpu.memory_space<vmem>>[vector<16xi32>, vector<16xi32>], vector<16xf32>,
        %get3A_918 = arith.constant 96 : index
        %get3A_919 = tpu.vector_load %arg10[%get3A_918] {strides = array<i32>} : memref<512xf32, #tpu.memory_space<vmem>>, vector<16xf32>,
        %add3A_920 = arith.addf %gather3A_917, %get3A_919 : vector<16xf32>
        %swap3A_921 = arith.constant 1 : i32
        %swap3A_922 = arith.index_cast %swap3A_921 : i32 to index
        %swap3A_923 = arith.constant 32 : index
        %swap3A_924 = tpu.vector_load %arg9[%swap3A_922, %swap3A_923] {strides = array<i32>} : memref<8x64xf32, #tpu.memory_space<vmem>>, vector<16xf32>,
        tpu.vector_store %arg9[%swap3A_922, %swap3A_923], %add3A_920 {strides = array<i32>} : memref<8x64xf32, #tpu.memory_space<vmem>>, vector<16xf32>,
        %iota3A_925 = tpu.iota {dimensions = array<i32: 0>} : vector<16xi32>
        %add3A_926 = arith.constant 48 : i32
        %add3A_927 = vector.broadcast %add3A_926 : i32 to vector<16xi32>
        %add3A_928 = arith.addi %iota3A_925, %add3A_927 : vector<16xi32>
        %gather3A_929 = tpu.vector_load_idx %arg8[%add3A_928, %broadcast_in_dim3A_888] : memref<64x64xf32, #tpu.memory_space<vmem>>[vector<16xi32>, vector<16xi32>], vector<16xf32>,
        %get3A_930 = arith.constant 112 : index
        %get3A_931 = tpu.vector_load %arg10[%get3A_930] {strides = array<i32>} : memref<512xf32, #tpu.memory_space<vmem>>, vector<16xf32>,
        %add3A_932 = arith.addf %gather3A_929, %get3A_931 : vector<16xf32>
        %swap3A_933 = arith.constant 1 : i32
        %swap3A_934 = arith.index_cast %swap3A_933 : i32 to index
        %swap3A_935 = arith.constant 48 : index
        %swap3A_936 = tpu.vector_load %arg9[%swap3A_934, %swap3A_935] {strides = array<i32>} : memref<8x64xf32, #tpu.memory_space<vmem>>, vector<16xf32>,
        tpu.vector_store %arg9[%swap3A_934, %swap3A_935], %add3A_932 {strides = array<i32>} : memref<8x64xf32, #tpu.memory_space<vmem>>, vector<16xf32>,
      } else {
      }
      %slice3A_844 = vector.extract_strided_slice %get3A_5 {offsets = [2], sizes = [1], strides = [1]} : vector<16xi32> to vector<1xi32>
      %squeeze3A_845 = vector.extract %slice3A_844[0] : i32 from vector<1xi32>
      %ge3A_846 = arith.constant 999936 : i32
      %ge3A_847 = arith.cmpi sge, %squeeze3A_845, %ge3A_846 : i32
      %convert_element_type3A_848 = arith.extui %ge3A_847 : i1 to i32
      %cond3A_849 = arith.constant 0 : i32
      %cond3A_850 = arith.cmpi ne, %convert_element_type3A_848, %cond3A_849 : i32
      scf.if %cond3A_850 {
        %slice3A_886 = vector.extract_strided_slice %min3A_21 {offsets = [2], sizes = [1], strides = [1]} : vector<16xi32> to vector<1xi32>
        %squeeze3A_887 = vector.extract %slice3A_886[0] : i32 from vector<1xi32>
        %broadcast_in_dim3A_888 = vector.broadcast %squeeze3A_887 : i32 to vector<16xi32>
        %iota3A_889 = tpu.iota {dimensions = array<i32: 0>} : vector<16xi32>
        %add3A_890 = arith.constant 0 : i32
        %add3A_891 = vector.broadcast %add3A_890 : i32 to vector<16xi32>
        %add3A_892 = arith.addi %iota3A_889, %add3A_891 : vector<16xi32>
        %gather3A_893 = tpu.vector_load_idx %arg8[%add3A_892, %broadcast_in_dim3A_888] : memref<64x64xf32, #tpu.memory_space<vmem>>[vector<16xi32>, vector<16xi32>], vector<16xf32>,
        %get3A_894 = arith.constant 128 : index
        %get3A_895 = tpu.vector_load %arg10[%get3A_894] {strides = array<i32>} : memref<512xf32, #tpu.memory_space<vmem>>, vector<16xf32>,
        %add3A_896 = arith.addf %gather3A_893, %get3A_895 : vector<16xf32>
        %swap3A_897 = arith.constant 2 : i32
        %swap3A_898 = arith.index_cast %swap3A_897 : i32 to index
        %swap3A_899 = arith.constant 0 : index
        %swap3A_900 = tpu.vector_load %arg9[%swap3A_898, %swap3A_899] {strides = array<i32>} : memref<8x64xf32, #tpu.memory_space<vmem>>, vector<16xf32>,
        tpu.vector_store %arg9[%swap3A_898, %swap3A_899], %add3A_896 {strides = array<i32>} : memref<8x64xf32, #tpu.memory_space<vmem>>, vector<16xf32>,
        %iota3A_901 = tpu.iota {dimensions = array<i32: 0>} : vector<16xi32>
        %add3A_902 = arith.constant 16 : i32
        %add3A_903 = vector.broadcast %add3A_902 : i32 to vector<16xi32>
        %add3A_904 = arith.addi %iota3A_901, %add3A_903 : vector<16xi32>
        %gather3A_905 = tpu.vector_load_idx %arg8[%add3A_904, %broadcast_in_dim3A_888] : memref<64x64xf32, #tpu.memory_space<vmem>>[vector<16xi32>, vector<16xi32>], vector<16xf32>,
        %get3A_906 = arith.constant 144 : index
        %get3A_907 = tpu.vector_load %arg10[%get3A_906] {strides = array<i32>} : memref<512xf32, #tpu.memory_space<vmem>>, vector<16xf32>,
        %add3A_908 = arith.addf %gather3A_905, %get3A_907 : vector<16xf32>
        %swap3A_909 = arith.constant 2 : i32
        %swap3A_910 = arith.index_cast %swap3A_909 : i32 to index
        %swap3A_911 = arith.constant 16 : index
        %swap3A_912 = tpu.vector_load %arg9[%swap3A_910, %swap3A_911] {strides = array<i32>} : memref<8x64xf32, #tpu.memory_space<vmem>>, vector<16xf32>,
        tpu.vector_store %arg9[%swap3A_910, %swap3A_911], %add3A_908 {strides = array<i32>} : memref<8x64xf32, #tpu.memory_space<vmem>>, vector<16xf32>,
        %iota3A_913 = tpu.iota {dimensions = array<i32: 0>} : vector<16xi32>
        %add3A_914 = arith.constant 32 : i32
        %add3A_915 = vector.broadcast %add3A_914 : i32 to vector<16xi32>
        %add3A_916 = arith.addi %iota3A_913, %add3A_915 : vector<16xi32>
        %gather3A_917 = tpu.vector_load_idx %arg8[%add3A_916, %broadcast_in_dim3A_888] : memref<64x64xf32, #tpu.memory_space<vmem>>[vector<16xi32>, vector<16xi32>], vector<16xf32>,
        %get3A_918 = arith.constant 160 : index
        %get3A_919 = tpu.vector_load %arg10[%get3A_918] {strides = array<i32>} : memref<512xf32, #tpu.memory_space<vmem>>, vector<16xf32>,
        %add3A_920 = arith.addf %gather3A_917, %get3A_919 : vector<16xf32>
        %swap3A_921 = arith.constant 2 : i32
        %swap3A_922 = arith.index_cast %swap3A_921 : i32 to index
        %swap3A_923 = arith.constant 32 : index
        %swap3A_924 = tpu.vector_load %arg9[%swap3A_922, %swap3A_923] {strides = array<i32>} : memref<8x64xf32, #tpu.memory_space<vmem>>, vector<16xf32>,
        tpu.vector_store %arg9[%swap3A_922, %swap3A_923], %add3A_920 {strides = array<i32>} : memref<8x64xf32, #tpu.memory_space<vmem>>, vector<16xf32>,
        %iota3A_925 = tpu.iota {dimensions = array<i32: 0>} : vector<16xi32>
        %add3A_926 = arith.constant 48 : i32
        %add3A_927 = vector.broadcast %add3A_926 : i32 to vector<16xi32>
        %add3A_928 = arith.addi %iota3A_925, %add3A_927 : vector<16xi32>
        %gather3A_929 = tpu.vector_load_idx %arg8[%add3A_928, %broadcast_in_dim3A_888] : memref<64x64xf32, #tpu.memory_space<vmem>>[vector<16xi32>, vector<16xi32>], vector<16xf32>,
        %get3A_930 = arith.constant 176 : index
        %get3A_931 = tpu.vector_load %arg10[%get3A_930] {strides = array<i32>} : memref<512xf32, #tpu.memory_space<vmem>>, vector<16xf32>,
        %add3A_932 = arith.addf %gather3A_929, %get3A_931 : vector<16xf32>
        %swap3A_933 = arith.constant 2 : i32
        %swap3A_934 = arith.index_cast %swap3A_933 : i32 to index
        %swap3A_935 = arith.constant 48 : index
        %swap3A_936 = tpu.vector_load %arg9[%swap3A_934, %swap3A_935] {strides = array<i32>} : memref<8x64xf32, #tpu.memory_space<vmem>>, vector<16xf32>,
        tpu.vector_store %arg9[%swap3A_934, %swap3A_935], %add3A_932 {strides = array<i32>} : memref<8x64xf32, #tpu.memory_space<vmem>>, vector<16xf32>,
      } else {
      }
      %slice3A_851 = vector.extract_strided_slice %get3A_5 {offsets = [3], sizes = [1], strides = [1]} : vector<16xi32> to vector<1xi32>
      %squeeze3A_852 = vector.extract %slice3A_851[0] : i32 from vector<1xi32>
      %ge3A_853 = arith.constant 999936 : i32
      %ge3A_854 = arith.cmpi sge, %squeeze3A_852, %ge3A_853 : i32
      %convert_element_type3A_855 = arith.extui %ge3A_854 : i1 to i32
      %cond3A_856 = arith.constant 0 : i32
      %cond3A_857 = arith.cmpi ne, %convert_element_type3A_855, %cond3A_856 : i32
      scf.if %cond3A_857 {
        %slice3A_886 = vector.extract_strided_slice %min3A_21 {offsets = [3], sizes = [1], strides = [1]} : vector<16xi32> to vector<1xi32>
        %squeeze3A_887 = vector.extract %slice3A_886[0] : i32 from vector<1xi32>
        %broadcast_in_dim3A_888 = vector.broadcast %squeeze3A_887 : i32 to vector<16xi32>
        %iota3A_889 = tpu.iota {dimensions = array<i32: 0>} : vector<16xi32>
        %add3A_890 = arith.constant 0 : i32
        %add3A_891 = vector.broadcast %add3A_890 : i32 to vector<16xi32>
        %add3A_892 = arith.addi %iota3A_889, %add3A_891 : vector<16xi32>
        %gather3A_893 = tpu.vector_load_idx %arg8[%add3A_892, %broadcast_in_dim3A_888] : memref<64x64xf32, #tpu.memory_space<vmem>>[vector<16xi32>, vector<16xi32>], vector<16xf32>,
        %get3A_894 = arith.constant 192 : index
        %get3A_895 = tpu.vector_load %arg10[%get3A_894] {strides = array<i32>} : memref<512xf32, #tpu.memory_space<vmem>>, vector<16xf32>,
        %add3A_896 = arith.addf %gather3A_893, %get3A_895 : vector<16xf32>
        %swap3A_897 = arith.constant 3 : i32
        %swap3A_898 = arith.index_cast %swap3A_897 : i32 to index
        %swap3A_899 = arith.constant 0 : index
        %swap3A_900 = tpu.vector_load %arg9[%swap3A_898, %swap3A_899] {strides = array<i32>} : memref<8x64xf32, #tpu.memory_space<vmem>>, vector<16xf32>,
        tpu.vector_store %arg9[%swap3A_898, %swap3A_899], %add3A_896 {strides = array<i32>} : memref<8x64xf32, #tpu.memory_space<vmem>>, vector<16xf32>,
        %iota3A_901 = tpu.iota {dimensions = array<i32: 0>} : vector<16xi32>
        %add3A_902 = arith.constant 16 : i32
        %add3A_903 = vector.broadcast %add3A_902 : i32 to vector<16xi32>
        %add3A_904 = arith.addi %iota3A_901, %add3A_903 : vector<16xi32>
        %gather3A_905 = tpu.vector_load_idx %arg8[%add3A_904, %broadcast_in_dim3A_888] : memref<64x64xf32, #tpu.memory_space<vmem>>[vector<16xi32>, vector<16xi32>], vector<16xf32>,
        %get3A_906 = arith.constant 208 : index
        %get3A_907 = tpu.vector_load %arg10[%get3A_906] {strides = array<i32>} : memref<512xf32, #tpu.memory_space<vmem>>, vector<16xf32>,
        %add3A_908 = arith.addf %gather3A_905, %get3A_907 : vector<16xf32>
        %swap3A_909 = arith.constant 3 : i32
        %swap3A_910 = arith.index_cast %swap3A_909 : i32 to index
        %swap3A_911 = arith.constant 16 : index
        %swap3A_912 = tpu.vector_load %arg9[%swap3A_910, %swap3A_911] {strides = array<i32>} : memref<8x64xf32, #tpu.memory_space<vmem>>, vector<16xf32>,
        tpu.vector_store %arg9[%swap3A_910, %swap3A_911], %add3A_908 {strides = array<i32>} : memref<8x64xf32, #tpu.memory_space<vmem>>, vector<16xf32>,
        %iota3A_913 = tpu.iota {dimensions = array<i32: 0>} : vector<16xi32>
        %add3A_914 = arith.constant 32 : i32
        %add3A_915 = vector.broadcast %add3A_914 : i32 to vector<16xi32>
        %add3A_916 = arith.addi %iota3A_913, %add3A_915 : vector<16xi32>
        %gather3A_917 = tpu.vector_load_idx %arg8[%add3A_916, %broadcast_in_dim3A_888] : memref<64x64xf32, #tpu.memory_space<vmem>>[vector<16xi32>, vector<16xi32>], vector<16xf32>,
        %get3A_918 = arith.constant 224 : index
        %get3A_919 = tpu.vector_load %arg10[%get3A_918] {strides = array<i32>} : memref<512xf32, #tpu.memory_space<vmem>>, vector<16xf32>,
        %add3A_920 = arith.addf %gather3A_917, %get3A_919 : vector<16xf32>
        %swap3A_921 = arith.constant 3 : i32
        %swap3A_922 = arith.index_cast %swap3A_921 : i32 to index
        %swap3A_923 = arith.constant 32 : index
        %swap3A_924 = tpu.vector_load %arg9[%swap3A_922, %swap3A_923] {strides = array<i32>} : memref<8x64xf32, #tpu.memory_space<vmem>>, vector<16xf32>,
        tpu.vector_store %arg9[%swap3A_922, %swap3A_923], %add3A_920 {strides = array<i32>} : memref<8x64xf32, #tpu.memory_space<vmem>>, vector<16xf32>,
        %iota3A_925 = tpu.iota {dimensions = array<i32: 0>} : vector<16xi32>
        %add3A_926 = arith.constant 48 : i32
        %add3A_927 = vector.broadcast %add3A_926 : i32 to vector<16xi32>
        %add3A_928 = arith.addi %iota3A_925, %add3A_927 : vector<16xi32>
        %gather3A_929 = tpu.vector_load_idx %arg8[%add3A_928, %broadcast_in_dim3A_888] : memref<64x64xf32, #tpu.memory_space<vmem>>[vector<16xi32>, vector<16xi32>], vector<16xf32>,
        %get3A_930 = arith.constant 240 : index
        %get3A_931 = tpu.vector_load %arg10[%get3A_930] {strides = array<i32>} : memref<512xf32, #tpu.memory_space<vmem>>, vector<16xf32>,
        %add3A_932 = arith.addf %gather3A_929, %get3A_931 : vector<16xf32>
        %swap3A_933 = arith.constant 3 : i32
        %swap3A_934 = arith.index_cast %swap3A_933 : i32 to index
        %swap3A_935 = arith.constant 48 : index
        %swap3A_936 = tpu.vector_load %arg9[%swap3A_934, %swap3A_935] {strides = array<i32>} : memref<8x64xf32, #tpu.memory_space<vmem>>, vector<16xf32>,
        tpu.vector_store %arg9[%swap3A_934, %swap3A_935], %add3A_932 {strides = array<i32>} : memref<8x64xf32, #tpu.memory_space<vmem>>, vector<16xf32>,
      } else {
      }
      %slice3A_858 = vector.extract_strided_slice %get3A_5 {offsets = [4], sizes = [1], strides = [1]} : vector<16xi32> to vector<1xi32>
      %squeeze3A_859 = vector.extract %slice3A_858[0] : i32 from vector<1xi32>
      %ge3A_860 = arith.constant 999936 : i32
      %ge3A_861 = arith.cmpi sge, %squeeze3A_859, %ge3A_860 : i32
      %convert_element_type3A_862 = arith.extui %ge3A_861 : i1 to i32
      %cond3A_863 = arith.constant 0 : i32
      %cond3A_864 = arith.cmpi ne, %convert_element_type3A_862, %cond3A_863 : i32
      scf.if %cond3A_864 {
        %slice3A_886 = vector.extract_strided_slice %min3A_21 {offsets = [4], sizes = [1], strides = [1]} : vector<16xi32> to vector<1xi32>
        %squeeze3A_887 = vector.extract %slice3A_886[0] : i32 from vector<1xi32>
        %broadcast_in_dim3A_888 = vector.broadcast %squeeze3A_887 : i32 to vector<16xi32>
        %iota3A_889 = tpu.iota {dimensions = array<i32: 0>} : vector<16xi32>
        %add3A_890 = arith.constant 0 : i32
        %add3A_891 = vector.broadcast %add3A_890 : i32 to vector<16xi32>
        %add3A_892 = arith.addi %iota3A_889, %add3A_891 : vector<16xi32>
        %gather3A_893 = tpu.vector_load_idx %arg8[%add3A_892, %broadcast_in_dim3A_888] : memref<64x64xf32, #tpu.memory_space<vmem>>[vector<16xi32>, vector<16xi32>], vector<16xf32>,
        %get3A_894 = arith.constant 256 : index
        %get3A_895 = tpu.vector_load %arg10[%get3A_894] {strides = array<i32>} : memref<512xf32, #tpu.memory_space<vmem>>, vector<16xf32>,
        %add3A_896 = arith.addf %gather3A_893, %get3A_895 : vector<16xf32>
        %swap3A_897 = arith.constant 4 : i32
        %swap3A_898 = arith.index_cast %swap3A_897 : i32 to index
        %swap3A_899 = arith.constant 0 : index
        %swap3A_900 = tpu.vector_load %arg9[%swap3A_898, %swap3A_899] {strides = array<i32>} : memref<8x64xf32, #tpu.memory_space<vmem>>, vector<16xf32>,
        tpu.vector_store %arg9[%swap3A_898, %swap3A_899], %add3A_896 {strides = array<i32>} : memref<8x64xf32, #tpu.memory_space<vmem>>, vector<16xf32>,
        %iota3A_901 = tpu.iota {dimensions = array<i32: 0>} : vector<16xi32>
        %add3A_902 = arith.constant 16 : i32
        %add3A_903 = vector.broadcast %add3A_902 : i32 to vector<16xi32>
        %add3A_904 = arith.addi %iota3A_901, %add3A_903 : vector<16xi32>
        %gather3A_905 = tpu.vector_load_idx %arg8[%add3A_904, %broadcast_in_dim3A_888] : memref<64x64xf32, #tpu.memory_space<vmem>>[vector<16xi32>, vector<16xi32>], vector<16xf32>,
        %get3A_906 = arith.constant 272 : index
        %get3A_907 = tpu.vector_load %arg10[%get3A_906] {strides = array<i32>} : memref<512xf32, #tpu.memory_space<vmem>>, vector<16xf32>,
        %add3A_908 = arith.addf %gather3A_905, %get3A_907 : vector<16xf32>
        %swap3A_909 = arith.constant 4 : i32
        %swap3A_910 = arith.index_cast %swap3A_909 : i32 to index
        %swap3A_911 = arith.constant 16 : index
        %swap3A_912 = tpu.vector_load %arg9[%swap3A_910, %swap3A_911] {strides = array<i32>} : memref<8x64xf32, #tpu.memory_space<vmem>>, vector<16xf32>,
        tpu.vector_store %arg9[%swap3A_910, %swap3A_911], %add3A_908 {strides = array<i32>} : memref<8x64xf32, #tpu.memory_space<vmem>>, vector<16xf32>,
        %iota3A_913 = tpu.iota {dimensions = array<i32: 0>} : vector<16xi32>
        %add3A_914 = arith.constant 32 : i32
        %add3A_915 = vector.broadcast %add3A_914 : i32 to vector<16xi32>
        %add3A_916 = arith.addi %iota3A_913, %add3A_915 : vector<16xi32>
        %gather3A_917 = tpu.vector_load_idx %arg8[%add3A_916, %broadcast_in_dim3A_888] : memref<64x64xf32, #tpu.memory_space<vmem>>[vector<16xi32>, vector<16xi32>], vector<16xf32>,
        %get3A_918 = arith.constant 288 : index
        %get3A_919 = tpu.vector_load %arg10[%get3A_918] {strides = array<i32>} : memref<512xf32, #tpu.memory_space<vmem>>, vector<16xf32>,
        %add3A_920 = arith.addf %gather3A_917, %get3A_919 : vector<16xf32>
        %swap3A_921 = arith.constant 4 : i32
        %swap3A_922 = arith.index_cast %swap3A_921 : i32 to index
        %swap3A_923 = arith.constant 32 : index
        %swap3A_924 = tpu.vector_load %arg9[%swap3A_922, %swap3A_923] {strides = array<i32>} : memref<8x64xf32, #tpu.memory_space<vmem>>, vector<16xf32>,
        tpu.vector_store %arg9[%swap3A_922, %swap3A_923], %add3A_920 {strides = array<i32>} : memref<8x64xf32, #tpu.memory_space<vmem>>, vector<16xf32>,
        %iota3A_925 = tpu.iota {dimensions = array<i32: 0>} : vector<16xi32>
        %add3A_926 = arith.constant 48 : i32
        %add3A_927 = vector.broadcast %add3A_926 : i32 to vector<16xi32>
        %add3A_928 = arith.addi %iota3A_925, %add3A_927 : vector<16xi32>
        %gather3A_929 = tpu.vector_load_idx %arg8[%add3A_928, %broadcast_in_dim3A_888] : memref<64x64xf32, #tpu.memory_space<vmem>>[vector<16xi32>, vector<16xi32>], vector<16xf32>,
        %get3A_930 = arith.constant 304 : index
        %get3A_931 = tpu.vector_load %arg10[%get3A_930] {strides = array<i32>} : memref<512xf32, #tpu.memory_space<vmem>>, vector<16xf32>,
        %add3A_932 = arith.addf %gather3A_929, %get3A_931 : vector<16xf32>
        %swap3A_933 = arith.constant 4 : i32
        %swap3A_934 = arith.index_cast %swap3A_933 : i32 to index
        %swap3A_935 = arith.constant 48 : index
        %swap3A_936 = tpu.vector_load %arg9[%swap3A_934, %swap3A_935] {strides = array<i32>} : memref<8x64xf32, #tpu.memory_space<vmem>>, vector<16xf32>,
        tpu.vector_store %arg9[%swap3A_934, %swap3A_935], %add3A_932 {strides = array<i32>} : memref<8x64xf32, #tpu.memory_space<vmem>>, vector<16xf32>,
      } else {
      }
      %slice3A_865 = vector.extract_strided_slice %get3A_5 {offsets = [5], sizes = [1], strides = [1]} : vector<16xi32> to vector<1xi32>
      %squeeze3A_866 = vector.extract %slice3A_865[0] : i32 from vector<1xi32>
      %ge3A_867 = arith.constant 999936 : i32
      %ge3A_868 = arith.cmpi sge, %squeeze3A_866, %ge3A_867 : i32
      %convert_element_type3A_869 = arith.extui %ge3A_868 : i1 to i32
      %cond3A_870 = arith.constant 0 : i32
      %cond3A_871 = arith.cmpi ne, %convert_element_type3A_869, %cond3A_870 : i32
      scf.if %cond3A_871 {
        %slice3A_886 = vector.extract_strided_slice %min3A_21 {offsets = [5], sizes = [1], strides = [1]} : vector<16xi32> to vector<1xi32>
        %squeeze3A_887 = vector.extract %slice3A_886[0] : i32 from vector<1xi32>
        %broadcast_in_dim3A_888 = vector.broadcast %squeeze3A_887 : i32 to vector<16xi32>
        %iota3A_889 = tpu.iota {dimensions = array<i32: 0>} : vector<16xi32>
        %add3A_890 = arith.constant 0 : i32
        %add3A_891 = vector.broadcast %add3A_890 : i32 to vector<16xi32>
        %add3A_892 = arith.addi %iota3A_889, %add3A_891 : vector<16xi32>
        %gather3A_893 = tpu.vector_load_idx %arg8[%add3A_892, %broadcast_in_dim3A_888] : memref<64x64xf32, #tpu.memory_space<vmem>>[vector<16xi32>, vector<16xi32>], vector<16xf32>,
        %get3A_894 = arith.constant 320 : index
        %get3A_895 = tpu.vector_load %arg10[%get3A_894] {strides = array<i32>} : memref<512xf32, #tpu.memory_space<vmem>>, vector<16xf32>,
        %add3A_896 = arith.addf %gather3A_893, %get3A_895 : vector<16xf32>
        %swap3A_897 = arith.constant 5 : i32
        %swap3A_898 = arith.index_cast %swap3A_897 : i32 to index
        %swap3A_899 = arith.constant 0 : index
        %swap3A_900 = tpu.vector_load %arg9[%swap3A_898, %swap3A_899] {strides = array<i32>} : memref<8x64xf32, #tpu.memory_space<vmem>>, vector<16xf32>,
        tpu.vector_store %arg9[%swap3A_898, %swap3A_899], %add3A_896 {strides = array<i32>} : memref<8x64xf32, #tpu.memory_space<vmem>>, vector<16xf32>,
        %iota3A_901 = tpu.iota {dimensions = array<i32: 0>} : vector<16xi32>
        %add3A_902 = arith.constant 16 : i32
        %add3A_903 = vector.broadcast %add3A_902 : i32 to vector<16xi32>
        %add3A_904 = arith.addi %iota3A_901, %add3A_903 : vector<16xi32>
        %gather3A_905 = tpu.vector_load_idx %arg8[%add3A_904, %broadcast_in_dim3A_888] : memref<64x64xf32, #tpu.memory_space<vmem>>[vector<16xi32>, vector<16xi32>], vector<16xf32>,
        %get3A_906 = arith.constant 336 : index
        %get3A_907 = tpu.vector_load %arg10[%get3A_906] {strides = array<i32>} : memref<512xf32, #tpu.memory_space<vmem>>, vector<16xf32>,
        %add3A_908 = arith.addf %gather3A_905, %get3A_907 : vector<16xf32>
        %swap3A_909 = arith.constant 5 : i32
        %swap3A_910 = arith.index_cast %swap3A_909 : i32 to index
        %swap3A_911 = arith.constant 16 : index
        %swap3A_912 = tpu.vector_load %arg9[%swap3A_910, %swap3A_911] {strides = array<i32>} : memref<8x64xf32, #tpu.memory_space<vmem>>, vector<16xf32>,
        tpu.vector_store %arg9[%swap3A_910, %swap3A_911], %add3A_908 {strides = array<i32>} : memref<8x64xf32, #tpu.memory_space<vmem>>, vector<16xf32>,
        %iota3A_913 = tpu.iota {dimensions = array<i32: 0>} : vector<16xi32>
        %add3A_914 = arith.constant 32 : i32
        %add3A_915 = vector.broadcast %add3A_914 : i32 to vector<16xi32>
        %add3A_916 = arith.addi %iota3A_913, %add3A_915 : vector<16xi32>
        %gather3A_917 = tpu.vector_load_idx %arg8[%add3A_916, %broadcast_in_dim3A_888] : memref<64x64xf32, #tpu.memory_space<vmem>>[vector<16xi32>, vector<16xi32>], vector<16xf32>,
        %get3A_918 = arith.constant 352 : index
        %get3A_919 = tpu.vector_load %arg10[%get3A_918] {strides = array<i32>} : memref<512xf32, #tpu.memory_space<vmem>>, vector<16xf32>,
        %add3A_920 = arith.addf %gather3A_917, %get3A_919 : vector<16xf32>
        %swap3A_921 = arith.constant 5 : i32
        %swap3A_922 = arith.index_cast %swap3A_921 : i32 to index
        %swap3A_923 = arith.constant 32 : index
        %swap3A_924 = tpu.vector_load %arg9[%swap3A_922, %swap3A_923] {strides = array<i32>} : memref<8x64xf32, #tpu.memory_space<vmem>>, vector<16xf32>,
        tpu.vector_store %arg9[%swap3A_922, %swap3A_923], %add3A_920 {strides = array<i32>} : memref<8x64xf32, #tpu.memory_space<vmem>>, vector<16xf32>,
        %iota3A_925 = tpu.iota {dimensions = array<i32: 0>} : vector<16xi32>
        %add3A_926 = arith.constant 48 : i32
        %add3A_927 = vector.broadcast %add3A_926 : i32 to vector<16xi32>
        %add3A_928 = arith.addi %iota3A_925, %add3A_927 : vector<16xi32>
        %gather3A_929 = tpu.vector_load_idx %arg8[%add3A_928, %broadcast_in_dim3A_888] : memref<64x64xf32, #tpu.memory_space<vmem>>[vector<16xi32>, vector<16xi32>], vector<16xf32>,
        %get3A_930 = arith.constant 368 : index
        %get3A_931 = tpu.vector_load %arg10[%get3A_930] {strides = array<i32>} : memref<512xf32, #tpu.memory_space<vmem>>, vector<16xf32>,
        %add3A_932 = arith.addf %gather3A_929, %get3A_931 : vector<16xf32>
        %swap3A_933 = arith.constant 5 : i32
        %swap3A_934 = arith.index_cast %swap3A_933 : i32 to index
        %swap3A_935 = arith.constant 48 : index
        %swap3A_936 = tpu.vector_load %arg9[%swap3A_934, %swap3A_935] {strides = array<i32>} : memref<8x64xf32, #tpu.memory_space<vmem>>, vector<16xf32>,
        tpu.vector_store %arg9[%swap3A_934, %swap3A_935], %add3A_932 {strides = array<i32>} : memref<8x64xf32, #tpu.memory_space<vmem>>, vector<16xf32>,
      } else {
      }
      %slice3A_872 = vector.extract_strided_slice %get3A_5 {offsets = [6], sizes = [1], strides = [1]} : vector<16xi32> to vector<1xi32>
      %squeeze3A_873 = vector.extract %slice3A_872[0] : i32 from vector<1xi32>
      %ge3A_874 = arith.constant 999936 : i32
      %ge3A_875 = arith.cmpi sge, %squeeze3A_873, %ge3A_874 : i32
      %convert_element_type3A_876 = arith.extui %ge3A_875 : i1 to i32
      %cond3A_877 = arith.constant 0 : i32
      %cond3A_878 = arith.cmpi ne, %convert_element_type3A_876, %cond3A_877 : i32
      scf.if %cond3A_878 {
        %slice3A_886 = vector.extract_strided_slice %min3A_21 {offsets = [6], sizes = [1], strides = [1]} : vector<16xi32> to vector<1xi32>
        %squeeze3A_887 = vector.extract %slice3A_886[0] : i32 from vector<1xi32>
        %broadcast_in_dim3A_888 = vector.broadcast %squeeze3A_887 : i32 to vector<16xi32>
        %iota3A_889 = tpu.iota {dimensions = array<i32: 0>} : vector<16xi32>
        %add3A_890 = arith.constant 0 : i32
        %add3A_891 = vector.broadcast %add3A_890 : i32 to vector<16xi32>
        %add3A_892 = arith.addi %iota3A_889, %add3A_891 : vector<16xi32>
        %gather3A_893 = tpu.vector_load_idx %arg8[%add3A_892, %broadcast_in_dim3A_888] : memref<64x64xf32, #tpu.memory_space<vmem>>[vector<16xi32>, vector<16xi32>], vector<16xf32>,
        %get3A_894 = arith.constant 384 : index
        %get3A_895 = tpu.vector_load %arg10[%get3A_894] {strides = array<i32>} : memref<512xf32, #tpu.memory_space<vmem>>, vector<16xf32>,
        %add3A_896 = arith.addf %gather3A_893, %get3A_895 : vector<16xf32>
        %swap3A_897 = arith.constant 6 : i32
        %swap3A_898 = arith.index_cast %swap3A_897 : i32 to index
        %swap3A_899 = arith.constant 0 : index
        %swap3A_900 = tpu.vector_load %arg9[%swap3A_898, %swap3A_899] {strides = array<i32>} : memref<8x64xf32, #tpu.memory_space<vmem>>, vector<16xf32>,
        tpu.vector_store %arg9[%swap3A_898, %swap3A_899], %add3A_896 {strides = array<i32>} : memref<8x64xf32, #tpu.memory_space<vmem>>, vector<16xf32>,
        %iota3A_901 = tpu.iota {dimensions = array<i32: 0>} : vector<16xi32>
        %add3A_902 = arith.constant 16 : i32
        %add3A_903 = vector.broadcast %add3A_902 : i32 to vector<16xi32>
        %add3A_904 = arith.addi %iota3A_901, %add3A_903 : vector<16xi32>
        %gather3A_905 = tpu.vector_load_idx %arg8[%add3A_904, %broadcast_in_dim3A_888] : memref<64x64xf32, #tpu.memory_space<vmem>>[vector<16xi32>, vector<16xi32>], vector<16xf32>,
        %get3A_906 = arith.constant 400 : index
        %get3A_907 = tpu.vector_load %arg10[%get3A_906] {strides = array<i32>} : memref<512xf32, #tpu.memory_space<vmem>>, vector<16xf32>,
        %add3A_908 = arith.addf %gather3A_905, %get3A_907 : vector<16xf32>
        %swap3A_909 = arith.constant 6 : i32
        %swap3A_910 = arith.index_cast %swap3A_909 : i32 to index
        %swap3A_911 = arith.constant 16 : index
        %swap3A_912 = tpu.vector_load %arg9[%swap3A_910, %swap3A_911] {strides = array<i32>} : memref<8x64xf32, #tpu.memory_space<vmem>>, vector<16xf32>,
        tpu.vector_store %arg9[%swap3A_910, %swap3A_911], %add3A_908 {strides = array<i32>} : memref<8x64xf32, #tpu.memory_space<vmem>>, vector<16xf32>,
        %iota3A_913 = tpu.iota {dimensions = array<i32: 0>} : vector<16xi32>
        %add3A_914 = arith.constant 32 : i32
        %add3A_915 = vector.broadcast %add3A_914 : i32 to vector<16xi32>
        %add3A_916 = arith.addi %iota3A_913, %add3A_915 : vector<16xi32>
        %gather3A_917 = tpu.vector_load_idx %arg8[%add3A_916, %broadcast_in_dim3A_888] : memref<64x64xf32, #tpu.memory_space<vmem>>[vector<16xi32>, vector<16xi32>], vector<16xf32>,
        %get3A_918 = arith.constant 416 : index
        %get3A_919 = tpu.vector_load %arg10[%get3A_918] {strides = array<i32>} : memref<512xf32, #tpu.memory_space<vmem>>, vector<16xf32>,
        %add3A_920 = arith.addf %gather3A_917, %get3A_919 : vector<16xf32>
        %swap3A_921 = arith.constant 6 : i32
        %swap3A_922 = arith.index_cast %swap3A_921 : i32 to index
        %swap3A_923 = arith.constant 32 : index
        %swap3A_924 = tpu.vector_load %arg9[%swap3A_922, %swap3A_923] {strides = array<i32>} : memref<8x64xf32, #tpu.memory_space<vmem>>, vector<16xf32>,
        tpu.vector_store %arg9[%swap3A_922, %swap3A_923], %add3A_920 {strides = array<i32>} : memref<8x64xf32, #tpu.memory_space<vmem>>, vector<16xf32>,
        %iota3A_925 = tpu.iota {dimensions = array<i32: 0>} : vector<16xi32>
        %add3A_926 = arith.constant 48 : i32
        %add3A_927 = vector.broadcast %add3A_926 : i32 to vector<16xi32>
        %add3A_928 = arith.addi %iota3A_925, %add3A_927 : vector<16xi32>
        %gather3A_929 = tpu.vector_load_idx %arg8[%add3A_928, %broadcast_in_dim3A_888] : memref<64x64xf32, #tpu.memory_space<vmem>>[vector<16xi32>, vector<16xi32>], vector<16xf32>,
        %get3A_930 = arith.constant 432 : index
        %get3A_931 = tpu.vector_load %arg10[%get3A_930] {strides = array<i32>} : memref<512xf32, #tpu.memory_space<vmem>>, vector<16xf32>,
        %add3A_932 = arith.addf %gather3A_929, %get3A_931 : vector<16xf32>
        %swap3A_933 = arith.constant 6 : i32
        %swap3A_934 = arith.index_cast %swap3A_933 : i32 to index
        %swap3A_935 = arith.constant 48 : index
        %swap3A_936 = tpu.vector_load %arg9[%swap3A_934, %swap3A_935] {strides = array<i32>} : memref<8x64xf32, #tpu.memory_space<vmem>>, vector<16xf32>,
        tpu.vector_store %arg9[%swap3A_934, %swap3A_935], %add3A_932 {strides = array<i32>} : memref<8x64xf32, #tpu.memory_space<vmem>>, vector<16xf32>,
      } else {
      }
      %slice3A_879 = vector.extract_strided_slice %get3A_5 {offsets = [7], sizes = [1], strides = [1]} : vector<16xi32> to vector<1xi32>
      %squeeze3A_880 = vector.extract %slice3A_879[0] : i32 from vector<1xi32>
      %ge3A_881 = arith.constant 999936 : i32
      %ge3A_882 = arith.cmpi sge, %squeeze3A_880, %ge3A_881 : i32
      %convert_element_type3A_883 = arith.extui %ge3A_882 : i1 to i32
      %cond3A_884 = arith.constant 0 : i32
      %cond3A_885 = arith.cmpi ne, %convert_element_type3A_883, %cond3A_884 : i32
      scf.if %cond3A_885 {
        %slice3A_886 = vector.extract_strided_slice %min3A_21 {offsets = [7], sizes = [1], strides = [1]} : vector<16xi32> to vector<1xi32>
        %squeeze3A_887 = vector.extract %slice3A_886[0] : i32 from vector<1xi32>
        %broadcast_in_dim3A_888 = vector.broadcast %squeeze3A_887 : i32 to vector<16xi32>
        %iota3A_889 = tpu.iota {dimensions = array<i32: 0>} : vector<16xi32>
        %add3A_890 = arith.constant 0 : i32
        %add3A_891 = vector.broadcast %add3A_890 : i32 to vector<16xi32>
        %add3A_892 = arith.addi %iota3A_889, %add3A_891 : vector<16xi32>
        %gather3A_893 = tpu.vector_load_idx %arg8[%add3A_892, %broadcast_in_dim3A_888] : memref<64x64xf32, #tpu.memory_space<vmem>>[vector<16xi32>, vector<16xi32>], vector<16xf32>,
        %get3A_894 = arith.constant 448 : index
        %get3A_895 = tpu.vector_load %arg10[%get3A_894] {strides = array<i32>} : memref<512xf32, #tpu.memory_space<vmem>>, vector<16xf32>,
        %add3A_896 = arith.addf %gather3A_893, %get3A_895 : vector<16xf32>
        %swap3A_897 = arith.constant 7 : i32
        %swap3A_898 = arith.index_cast %swap3A_897 : i32 to index
        %swap3A_899 = arith.constant 0 : index
        %swap3A_900 = tpu.vector_load %arg9[%swap3A_898, %swap3A_899] {strides = array<i32>} : memref<8x64xf32, #tpu.memory_space<vmem>>, vector<16xf32>,
        tpu.vector_store %arg9[%swap3A_898, %swap3A_899], %add3A_896 {strides = array<i32>} : memref<8x64xf32, #tpu.memory_space<vmem>>, vector<16xf32>,
        %iota3A_901 = tpu.iota {dimensions = array<i32: 0>} : vector<16xi32>
        %add3A_902 = arith.constant 16 : i32
        %add3A_903 = vector.broadcast %add3A_902 : i32 to vector<16xi32>
        %add3A_904 = arith.addi %iota3A_901, %add3A_903 : vector<16xi32>
        %gather3A_905 = tpu.vector_load_idx %arg8[%add3A_904, %broadcast_in_dim3A_888] : memref<64x64xf32, #tpu.memory_space<vmem>>[vector<16xi32>, vector<16xi32>], vector<16xf32>,
        %get3A_906 = arith.constant 464 : index
        %get3A_907 = tpu.vector_load %arg10[%get3A_906] {strides = array<i32>} : memref<512xf32, #tpu.memory_space<vmem>>, vector<16xf32>,
        %add3A_908 = arith.addf %gather3A_905, %get3A_907 : vector<16xf32>
        %swap3A_909 = arith.constant 7 : i32
        %swap3A_910 = arith.index_cast %swap3A_909 : i32 to index
        %swap3A_911 = arith.constant 16 : index
        %swap3A_912 = tpu.vector_load %arg9[%swap3A_910, %swap3A_911] {strides = array<i32>} : memref<8x64xf32, #tpu.memory_space<vmem>>, vector<16xf32>,
        tpu.vector_store %arg9[%swap3A_910, %swap3A_911], %add3A_908 {strides = array<i32>} : memref<8x64xf32, #tpu.memory_space<vmem>>, vector<16xf32>,
        %iota3A_913 = tpu.iota {dimensions = array<i32: 0>} : vector<16xi32>
        %add3A_914 = arith.constant 32 : i32
        %add3A_915 = vector.broadcast %add3A_914 : i32 to vector<16xi32>
        %add3A_916 = arith.addi %iota3A_913, %add3A_915 : vector<16xi32>
        %gather3A_917 = tpu.vector_load_idx %arg8[%add3A_916, %broadcast_in_dim3A_888] : memref<64x64xf32, #tpu.memory_space<vmem>>[vector<16xi32>, vector<16xi32>], vector<16xf32>,
        %get3A_918 = arith.constant 480 : index
        %get3A_919 = tpu.vector_load %arg10[%get3A_918] {strides = array<i32>} : memref<512xf32, #tpu.memory_space<vmem>>, vector<16xf32>,
        %add3A_920 = arith.addf %gather3A_917, %get3A_919 : vector<16xf32>
        %swap3A_921 = arith.constant 7 : i32
        %swap3A_922 = arith.index_cast %swap3A_921 : i32 to index
        %swap3A_923 = arith.constant 32 : index
        %swap3A_924 = tpu.vector_load %arg9[%swap3A_922, %swap3A_923] {strides = array<i32>} : memref<8x64xf32, #tpu.memory_space<vmem>>, vector<16xf32>,
        tpu.vector_store %arg9[%swap3A_922, %swap3A_923], %add3A_920 {strides = array<i32>} : memref<8x64xf32, #tpu.memory_space<vmem>>, vector<16xf32>,
        %iota3A_925 = tpu.iota {dimensions = array<i32: 0>} : vector<16xi32>
        %add3A_926 = arith.constant 48 : i32
        %add3A_927 = vector.broadcast %add3A_926 : i32 to vector<16xi32>
        %add3A_928 = arith.addi %iota3A_925, %add3A_927 : vector<16xi32>
        %gather3A_929 = tpu.vector_load_idx %arg8[%add3A_928, %broadcast_in_dim3A_888] : memref<64x64xf32, #tpu.memory_space<vmem>>[vector<16xi32>, vector<16xi32>], vector<16xf32>,
        %get3A_930 = arith.constant 496 : index
        %get3A_931 = tpu.vector_load %arg10[%get3A_930] {strides = array<i32>} : memref<512xf32, #tpu.memory_space<vmem>>, vector<16xf32>,
        %add3A_932 = arith.addf %gather3A_929, %get3A_931 : vector<16xf32>
        %swap3A_933 = arith.constant 7 : i32
        %swap3A_934 = arith.index_cast %swap3A_933 : i32 to index
        %swap3A_935 = arith.constant 48 : index
        %swap3A_936 = tpu.vector_load %arg9[%swap3A_934, %swap3A_935] {strides = array<i32>} : memref<8x64xf32, #tpu.memory_space<vmem>>, vector<16xf32>,
        tpu.vector_store %arg9[%swap3A_934, %swap3A_935], %add3A_932 {strides = array<i32>} : memref<8x64xf32, #tpu.memory_space<vmem>>, vector<16xf32>,
      } else {
      }
      %run_scoped3A = arith.constant 0 : i32
      "tpu.region"() ({
        %run_scoped3A_886 = tpu.sem_alloc : memref<!tpu.dma_semaphore, #tpu.memory_space<semaphore_mem>>
        %dma_start3A_887 = arith.constant 0 : i32
        %dma_start3A_888 = tpu.memref_slice %arg5[%run_scoped3A, %mul3A_4, %dma_start3A_887] : memref<1x200x64xf32, #tpu.memory_space<hbm>> -> memref<1x8x64xf32, #tpu.memory_space<hbm>>
        %dma_start3A_889 = tpu.memref_squeeze %dma_start3A_888 : memref<1x8x64xf32, #tpu.memory_space<hbm>> -> memref<8x64xf32, #tpu.memory_space<hbm>>
        %dma_start3A_890 = arith.constant 0 : i32
        %dma_start3A_891 = tpu.memref_slice %arg5[%run_scoped3A, %mul3A_4, %dma_start3A_890] : memref<1x200x64xf32, #tpu.memory_space<hbm>> -> memref<1x8x64xf32, #tpu.memory_space<hbm>>
        %dma_start3A_892 = tpu.memref_squeeze %dma_start3A_891 : memref<1x8x64xf32, #tpu.memory_space<hbm>> -> memref<8x64xf32, #tpu.memory_space<hbm>>
        tpu.enqueue_dma source(%arg9 : memref<8x64xf32, #tpu.memory_space<vmem>>) target(%dma_start3A_892 : memref<8x64xf32, #tpu.memory_space<hbm>>) target_semaphore(%run_scoped3A_886 : memref<!tpu.dma_semaphore, #tpu.memory_space<semaphore_mem>>)
        %dma_wait3A_893 = arith.constant 0 : i32
        %dma_wait3A_894 = tpu.memref_slice %arg5[%run_scoped3A, %mul3A_4, %dma_wait3A_893] : memref<1x200x64xf32, #tpu.memory_space<hbm>> -> memref<1x8x64xf32, #tpu.memory_space<hbm>>
        %dma_wait3A_895 = tpu.memref_squeeze %dma_wait3A_894 : memref<1x8x64xf32, #tpu.memory_space<hbm>> -> memref<8x64xf32, #tpu.memory_space<hbm>>
        %dma_wait3A_896 = arith.constant 0 : i32
        %dma_wait3A_897 = tpu.memref_slice %arg5[%run_scoped3A, %mul3A_4, %dma_wait3A_896] : memref<1x200x64xf32, #tpu.memory_space<hbm>> -> memref<1x8x64xf32, #tpu.memory_space<hbm>>
        %dma_wait3A_898 = tpu.memref_squeeze %dma_wait3A_897 : memref<1x8x64xf32, #tpu.memory_space<hbm>> -> memref<8x64xf32, #tpu.memory_space<hbm>>
        tpu.wait_dma2 semaphore(%run_scoped3A_886 : memref<!tpu.dma_semaphore, #tpu.memory_space<semaphore_mem>>) src(%arg9 : memref<8x64xf32, #tpu.memory_space<vmem>>) dst(%dma_wait3A_898 : memref<8x64xf32, #tpu.memory_space<hbm>>)
        tpu.yield
      }) : () -> ()
    } else {
    }
    return
  }
}

</mosaic_0001>

<sc_bundles>
// kernel: kernel.3.cloned.1.call-start
scs
__scs_entry_jumppad:
0x0: {  	(pc) =	sbr.rel $0x88, $3  }
0x1: {  	(tag) =	ssettag $0x0;
	lr =	simm.s32 $0x1  }
0x2: {  	[smem:$0x3F9F] =	sst lr;
	_ =	strace $0xD0000000  }
0x3: {  	_ = 	snop  }
0x4: {  	_ = 	snop  }
0x5: {  	_ = 	snop  }
0x6: {  	_ = 	snop  }
0x7: {  	_ = 	snop  }
__scs_overlays_trampoline_lowered:
0x8: {  	[smem:$0x3FAE] =	sst s0  }
0x9: {  	[smem:$0x3FAF] =	sst s1  }
0xa: {  	[smem:$0x3FB0] =	sst s2  }
0xb: {  	[smem:$0x3FB1] =	sst s3  }
0xc: {  	[smem:$0x3FB2] =	sst s4  }
0xd: {  	[smem:$0x3FB3] =	sst s5  }
0xe: {  	[smem:$0x3FB4] =	sst s6  }
0xf: {  	[smem:$0x3FB5] =	sst s7  }
0x10: {  	[smem:$0x3FB6] =	sst s8  }
0x11: {  	[smem:$0x3FB7] =	sst s9;
	s0 =	simm.s32 @!p0 $0x0  }
0x12: {  	s1 =	sld [smem:$0x3F9D];
	s0 =	simm.s32 @p0 $0x1  }
0x13: {  	[smem:$0x3FB8] =	sst s0;
	s0 =	simm.s32 @!p1 $0x0  }
0x14: {  	s2 =	sld [smem:$0x3F9C];
	s0 =	simm.s32 @p1 $0x1  }
0x15: {  	[smem:$0x3FB9] =	sst s0;
	s0 =	simm.s32 @!p2 $0x0  }
0x16: {  	s3 =	sld [smem:$0x3FDB];
	s0 =	simm.s32 @p2 $0x1  }
0x17: {  	s4 =	simm.s32 $0x1BF5;
	[smem:$0x3FBB] =	sst s0  }
0x18: {  	s0 =	sld [smem:$0x3F9E];
	_ =	swait.ge [sflag:s4], $0x0  }
0x19: {  	s7 =	sld [smem:$0x3F9F]  }
0x1a: {  	s8 =	sadd.s32 $0xFFFFE003, lr  }
0x1b: {  	s9 =	sadd.s32 $0xFFFFFEF7, lr;
	s5 =	simm.s32 $0xFFFFFFFF;
	p2 =	slt.u32 s8, $0xFFFFF086  }
0x1c: {  	p1 =	slt.u32 s9, $0xF7A;
	s5 =	simm.s32 @!p2 $0x0  }
0x1d: {  	s5 =	simm.s32 @p1 $0x1;
	p0 =	seq.s32 s7, s2  }
0x1e: {  	s7 =	smul.u32 @!p0 $0xF7A, s2;
	p2 =	seq.s32 @!p0 s5, $0x0  }
0x1f: {  	s9 =	smul.u32 $0xF7A, s1;
	s8 =	simm.s32 @!p0 $0x1BF5;
	p2 =	por !p2, p0  }
0x20: {  	[sflag:s8] =	ssyncset.s32 @!p0 $0xFFFFF086;
	s6 =	sadd.s32 @!p0 s3, s7;
	s7 =	simm.s32 @!p0 $0x108  }
0x21: {  	s3 =	sadd.s32 s3, s9;
	s6 =	sadd.s32 @!p0 $0x88, s6;
	s7 =	simm.s32 @p2 $0x1082  }
0x22: {  	[simem:s7], [sflag:s8] =	dma.local @!p0 [hbm:s6], $0xF7A  }
0x23: {  	s9 =	sor.u32 $0xD0000000, s2;
	s6 =	simm.s32 $0x108;
	_ =	swait.ge @!p0 [sflag:s8], $0x0  }
0x24: {  	s3 =	sadd.s32 $0x88, s3;
	s6 =	simm.s32 @!p1 $0x1082;
	[sflag:s4] =	ssyncset.s32 $0xFFFFF086  }
0x25: {  	[simem:s6], [sflag:s4] =	dma.local [hbm:s3], $0xF7A  }
0x26: {  	[smem:$0x3F9F] =	sst s1;
	(tag) =	ssettag s2;
	_ =	strace s9  }
0x27: {  	s1 =	sld [smem:$0x3FAF]  }
0x28: {  	s2 =	sld [smem:$0x3FB0]  }
0x29: {  	s4 =	sld [smem:$0x3FB2]  }
0x2a: {  	p0 =	seq.s32 s5, $0x0;
	s5 =	sld [smem:$0x3FB3]  }
0x2b: {  	s6 =	sld [smem:$0x3FB4]  }
0x2c: {  	s7 =	sld [smem:$0x3FB5]  }
0x2d: {  	s3 =	simm.s32 $0x108;
	s8 =	sld [smem:$0x3FB6]  }
0x2e: {  	s3 =	simm.s32 @!p0 $0x1082;
	s9 =	sld [smem:$0x3FB7]  }
0x2f: {  	lr =	sadd.s32 s0, s3;
	s0 =	sld [smem:$0x3FAE]  }
0x30: {  	s3 =	sld [smem:$0x3FB1]  }
0x31: {  	[smem:$0x3FBA] =	sst s10  }
0x32: {  	s10 =	sld [smem:$0x3FB8];
	_ =	sdelay $0x3  }
0x33: {  	p0 =	seq.s32 s10, $0x1;
	s10 =	sld [smem:$0x3FBA];
	_ =	sdelay $0x3  }
0x34: {  	[smem:$0x3FBA] =	sst s10  }
0x35: {  	s10 =	sld [smem:$0x3FB9];
	_ =	sdelay $0x3  }
0x36: {  	p1 =	seq.s32 s10, $0x1;
	s10 =	sld [smem:$0x3FBA];
	_ =	sdelay $0x3  }
0x37: {  	[smem:$0x3FBA] =	sst s10  }
0x38: {  	s10 =	sld [smem:$0x3FBB]  }
0x39: {  	_ = 	snop;
	(pc) =	sbr.ind lr, $3  }
0x3a: {  	_ = 	snop  }
0x3b: {  	_ = 	snop  }
0x3c: {  	p2 =	seq.s32 s10, $0x1;
	s10 =	sld [smem:$0x3FBA]  }
0x3d: {  	_ =	shalt  }
0x3e: {  	_ =	shalt  }
0x3f: {  	_ =	shalt  }
0x40: {  	_ =	shalt  }
0x41: {  	_ =	shalt  }
0x42: {  	_ =	shalt  }
0x43: {  	_ =	shalt  }
0x44: {  	_ =	shalt  }
0x45: {  	_ =	shalt  }
0x46: {  	_ =	shalt  }
0x47: {  	_ =	shalt  }
0x48: {  	_ =	shalt  }
0x49: {  	_ =	shalt  }
0x4a: {  	_ =	shalt  }
0x4b: {  	_ =	shalt  }
0x4c: {  	_ =	shalt  }
0x4d: {  	_ =	shalt  }
0x4e: {  	_ =	shalt  }
0x4f: {  	_ =	shalt  }
0x50: {  	_ =	shalt  }
0x51: {  	_ =	shalt  }
0x52: {  	_ =	shalt  }
0x53: {  	_ =	shalt  }
0x54: {  	_ =	shalt  }
0x55: {  	_ =	shalt  }
0x56: {  	_ =	shalt  }
0x57: {  	_ =	shalt  }
0x58: {  	_ =	shalt  }
0x59: {  	_ =	shalt  }
0x5a: {  	_ =	shalt  }
0x5b: {  	_ =	shalt  }
0x5c: {  	_ =	shalt  }
0x5d: {  	_ =	shalt  }
0x5e: {  	_ =	shalt  }
0x5f: {  	_ =	shalt  }
0x60: {  	_ =	shalt  }
0x61: {  	_ =	shalt  }
0x62: {  	_ =	shalt  }
0x63: {  	_ =	shalt  }
0x64: {  	_ =	shalt  }
0x65: {  	_ =	shalt  }
0x66: {  	_ =	shalt  }
0x67: {  	_ =	shalt  }
0x68: {  	_ =	shalt  }
0x69: {  	_ =	shalt  }
0x6a: {  	_ =	shalt  }
0x6b: {  	_ =	shalt  }
0x6c: {  	_ =	shalt  }
0x6d: {  	_ =	shalt  }
0x6e: {  	_ =	shalt  }
0x6f: {  	_ =	shalt  }
0x70: {  	_ =	shalt  }
0x71: {  	_ =	shalt  }
0x72: {  	_ =	shalt  }
0x73: {  	_ =	shalt  }
0x74: {  	_ =	shalt  }
0x75: {  	_ =	shalt  }
0x76: {  	_ =	shalt  }
0x77: {  	_ =	shalt  }
0x78: {  	_ =	shalt  }
0x79: {  	_ =	shalt  }
0x7a: {  	_ =	shalt  }
0x7b: {  	_ =	shalt  }
0x7c: {  	_ =	shalt  }
0x7d: {  	_ =	shalt  }
0x7e: {  	_ =	shalt  }
0x7f: {  	_ =	shalt  }
0x80: {  	_ =	shalt  }
0x81: {  	_ =	shalt  }
0x82: {  	_ =	shalt  }
0x83: {  	_ =	shalt  }
0x84: {  	_ =	shalt  }
0x85: {  	_ =	shalt  }
0x86: {  	_ =	shalt  }
0x87: {  	_ =	shalt  }
.Lfunc_end0:
.L_simem_size_0:
called_computation_lowered:
.L_overlay_start_0:
0x88: {  	s2 =	sld [smem:$0x3FD9]  }
0x89: {  	s3 =	sld [smem:$0x3FFE];
	_ =	sdelay $0x1  }
0x8a: {  	s1 =	srdreg.scid  }
0x8b: {  	s0 =	sand.u32 $0x1, s1  }
0x8c: {  	s17 =	sshll.u32 s0, $0xA;
	s2 =	sadd.s32 s3, s2  }
0x8d: {  	s2 =	sadd.s32 s2, s17  }
0x8e: {  	[smem:$0x3FC6] =	sst s2  }
0x8f: {  	_ = 	snop  }
0x90: {  	s2 =	sld [smem:$0x3FC9]  }
0x91: {  	s18 =	sld [smem:$0x3FC8]  }
0x92: {  	s4 =	sld [smem:$0x3FD0];
	(tm) =	ssettm $0x1  }
0x93: {  	s5 =	sld [smem:$0x3FFB];
	_ =	sdelay $0x3  }
0x94: {  	_ =	strace s5  }
0x95: {  	s5 =	sld [smem:$0x3FFC];
	_ =	sdelay $0x3  }
0x96: {  	_ =	strace s5  }
0x97: {  	s5 =	sld [smem:$0x3FFD];
	_ =	sdelay $0x3  }
0x98: {  	_ =	strace s5  }
0x99: {  	_ =	strace $0x8FFFFFFF  }
0x9a: {  	s19 =	sld [smem:$0x3FDB];
	_ =	sdelay $0x1  }
0x9b: {  	s6 =	simm.s32 $_scs_section_size  }
0x9c: {  	s7 =	simm.s32 $_size__tile_overlayer_lowered;
	s8 =	simm.s32 $_tile_overlayer_lowered  }
0x9d: {  	s22 =	simm.s32 $0x1BFF;
	s21 =	sshll.u32 s8, $0x1;
	s5 =	sadd.s32 s6, s19  }
0x9e: {  	s9 =	simm.s32 $0x0;
	s20 =	sshll.u32 s7, $0x1;
	s7 =	sadd.s32 s21, s5  }
0x9f: {  	[timem:s9], [sflag:s22] =	dma.local [hbm:s7], s20  }
0xa0: {  	_ =	swait.ge [sflag:s22], s20  }
0xa1: {  	s6 =	ssub.s32 $0x0, s20;
	[sflag:s22] =	ssyncset.done $0x0  }
0xa2: {  	[sflag:s22] =	ssyncadd.s32 s6;
	_ =	sdelay $0x1  }
0xa3: {  	s23 =	simm.s32 $0x1B8B  }
0xa4: {  	_ =	swait.ge [sflag:s23], $0x1  }
0xa5: {  	[sflag:s23] =	ssyncset.done $0x0  }
0xa6: {  	s25 =	simm.s32 $0x1B8E;
	s24 =	sld [smem:$0x3FFE];
	[sflag:s23] =	ssyncadd.s32 $0xFFFFFFFF  }
0xa7: {  	s26 =	simm.s32 $execute0_lowered;
	[smem:$0x3FD2] =	sst s25  }
0xa8: {  	s7 =	sshll.u32 s26, $0x1;
	_ =	strace $0x80000046;
	[dreg:$0x1] =	wrdreg $0xFFFFFFFF  }
0xa9: {  	s28 =	simm.s32 $_size_execute0_lowered;
	s5 =	sadd.s32 s5, s7;
	[dreg:$0x0] =	wrdreg $0x0  }
0xaa: {  	s7 =	sshll.u32 s28, $0x1;
	[dreg:$0x2] =	wrdreg s5  }
0xab: {  	[dreg:$0x3] =	wrdreg s7  }
0xac: {  	[dreg:$0x4] =	wrdreg $0xC0  }
0xad: {  	_ =	task [dreg:s9], $0x5FFFF  }
0xae: {  	[dreg:$0x1] =	wrdreg $0xFFFFFFFF  }
0xaf: {  	[dreg:$0x0] =	wrdreg $0x60  }
0xb0: {  	[dreg:$0x2] =	wrdreg s18  }
0xb1: {  	[dreg:$0x3] =	wrdreg s2  }
0xb2: {  	[dreg:$0x4] =	wrdreg s4  }
0xb3: {  	[dreg:$0x5] =	wrdreg s24  }
0xb4: {  	[dreg:$0x6] =	wrdreg $0x9  }
0xb5: {  	_ =	task.clear_ibuf [dreg:s9], $0x7FFFF;
	_ =	strace $0x90000046  }
0xb6: {  	s29 =	simm.s32 $0x9;
	_ =	strace $0x80000048  }
0xb7: {  	_ =	swait.ge [sflag:s29], $0x1  }
0xb8: {  	[sflag:s29] =	ssyncadd.s32 $0xFFFFFFFF  }
0xb9: {  	_ =	strace $0x90000048  }
0xba: {  	_ =	sfence  }
0xbb: {  	s30 =	sld [smem:$0x0];
	_ =	sdelay $0x2  }
0xbc: {  	s31 =	sshll.u32 s1, $0xD;
	s1 =	sshrl.u32 s1, $0x2  }
0xbd: {  	s3 =	sand.u32 $0x4000, s31;
	s1 =	sadd.s32 s1, s30  }
0xbe: {  	s0 =	sor.u32 s3, s0;
	s1 =	sshll.u32 s1, $0x11  }
0xbf: {  	s0 =	sor.u32 s1, s0  }
0xc0: {  	s0 =	sadd.s32 $0x8F2B, s0  }
0xc1: {  	[sflag:s0] =	ssyncadd.remote.s32 $0x1  }
0xc2: {  	_ =	sfence.sel $0xFFFF  }
0xc3: {  	[dreg:$0x0] =	wrdreg $0xFFFFFFFF;
	(pc) =	sbr.abs _section_cstart, $3  }
0xc4: {  	[dreg:$0x1] =	wrdreg $0xFFFFFFFF  }
0xc5: {  	_ =	task.clear_ibuf [dreg:s9], $0x2FFFF;
	_ =	strace $0x9FFFFFFF  }
0xc6: {  	(tm) =	ssettm $0x7FFFFFFF  }
0xc7: {  	_ =	shalt  }
tec
execute0_lowered:
.L_overlay_start_1:
0x0: {  	(tag) =	ssettag $0x1  }
0x1: {  	s2 =	srdreg.scid;
	s0 =	stileid.u32  }
0x2: {  	s5 =	sand.u32 $0x1, s2;
	s6 =	sshll.u32 s0, $0x1  }
0x3: {  	s6 =	sor.u32 s5, s6  }
0x4: {  	s1 =	rddreg [dreg:$0x0];
	p0 =	sgt.u32 s6, $0x18  }
.Ltmp0:
0x5: {  	s4 =	rddreg [dreg:$0x1];
	(pc) =	sbr.rel @p0 .LBB2_3-.Ltmp0, $4  }
0x6: {  	s7 =	rddreg [dreg:$0x2]  }
0x7: {  	s8 =	rddreg [dreg:$0x3];
	s3 =	simm.s32 $0x0  }
0x8: {  	[smem:$0x7FF] =	sst s3  }
0x9: {  	s2 =	rddreg [dreg:$0x4];
	_ =	strace $0x80000047  }
0xa: {  	s9 =	sshll.u32 s6, $0x6;
	s10 =	sshll.u32 s6, $0x7;
	s26 =	sadd.s32 $0xF4200, s1  }
0xb: {  	s5 =	ssub.s32 $0x2, s5;
	s4 =	sadd.s32 s4, s6;
	s30 =	simm.s32 $0x12480  }
0xc: {  	s6 =	simm.s32 $0x400;
	s31 =	simm.s32 $0x10080;
	s11 =	simm.s32 $0x6080  }
0xd: {  	s12 =	simm.s32 $0x8080;
	s13 =	simm.s32 $0xA080;
	s14 =	simm.s32 $0xC080  }
0xe: {  	s15 =	simm.s32 $0xE080;
	s16 =	simm.s32 $0x9;
	s17 =	simm.s32 $0x1  }
0xf: {  	s18 =	simm.s32 $0x2;
	s19 =	simm.s32 $0x3;
	s20 =	simm.s32 $0x4  }
0x10: {  	s21 =	simm.s32 $0x5;
	s22 =	simm.s32 $0x6;
	[dreg:$0x6] =	wrdreg s26  }
0x11: {  	s23 =	simm.s32 $0x7;
	s24 =	simm.s32 $0x8;
	[dreg:$0x8] =	wrdreg s4  }
0x12: {  	s25 =	simm.s32 $0xA;
	s7 =	sadd.s32 s7, s9;
	[dreg:$0x9] =	wrdreg s30  }
0x13: {  	s8 =	sadd.s32 s10, s8;
	s29 =	sshrl.u32 s5, $0x1;
	[dreg:$0xa] =	wrdreg s31  }
0x14: {  	v0 =	vlaneseq.u32;
	s9 =	simm.s32 $0x2080;
	s10 =	simm.s32 $0x4080;
	s26 =	simm.s32 $0x12080  }
0x15: {  	v0 =	vmul.u32 $0x80, v0;
	[dreg:$0x5] =	wrdreg s7;
	s28 =	sadd.s32 $0x400, s8;
	s5 =	ssub.s32 s5, s29  }
0x16: {  	s7 =	simm.s32 $0x7A1400;
	s8 =	simm.s32 $0x80;
	[dreg:$0xb] =	wrdreg s26  }
0x17: {  	[dreg:$0x7] =	wrdreg s28;
	s4 =	smax.u32 s5, $0x1;
	s5 =	simm.s32 $0xB;
	v1 =	vor.u32 $0x800, v0;
	v2 =	vor.u32 $0x1000, v0;
	v3 =	vor.u32 $0x1800, v0  }
.LBB2_2:
0x18: {  	s26 =	rddreg [dreg:$0x8]  }
0x19: {  	[tilespmem:s3], [sflag:$0xB] =	stream.linear.gather [hbm4b:s26+s3], $0x8, $0x38;
	[tilespmem:$0x12680] =	vst v63  }
0x1a: {  	_ =	swait.ge [sflag:s5], $0x8  }
0x1b: {  	[sflag:s5] =	ssyncset.done $0x0  }
0x1c: {  	[sflag:s5] =	ssyncadd.s32 $0xFFFFFFF8  }
0x1d: {  	v4 =	vld [tilespmem:$0x0];
	_ =	sdelay $0x4  }
0x1e: {  	v5 =	vand.u32 $0xFFFFFF80, v4  }
0x1f: {  	vm0 =	vlt.s32 v5, $0xF4180  }
0x20: {  	v5 =	vnsel vm0, $0xF4180, v5  }
0x21: {  	v6 =	vadd.s32 s1, v5  }
0x22: {  	(v2sf) =	vpush v6, $0x0;
	_ =	sdelay $0x1  }
0x23: {  	(v2sf) =	vpush v6, $0x1;
	_ =	sdelay $0x1  }
0x24: {  	(v2sf) =	vpush v6, $0x2;
	_ =	sdelay $0x1  }
0x25: {  	(v2sf) =	vpush v6, $0x3;
	_ =	sdelay $0x1  }
0x26: {  	(v2sf) =	vpush v6, $0x4  }
0x27: {  	s31 =	rddreg [dreg:$0x5]  }
0x28: {  	s28 =	rddreg [dreg:$0x9];
	(v2sf) =	vpush v6, $0x5  }
0x29: {  	s29 =	rddreg [dreg:$0x6]  }
0x2a: {  	[tilespmem:s28], [sflag:$0x9] =	stream.linear.gather [hbm4b:s31+s3], $0x200, $0x38;
	(v2sf) =	vpush v6, $0x6;
	[tilespmem:$0x12680] =	vst v63  }
0x2b: {  	s30 =	rddreg [dreg:$0xa]  }
0x2c: {  	[tilespmem:s30], [sflag:$0xA] =	stream.strided.gather [hbm4b:s29+s6], $0x2000, s7, s6, $0x38;
	(v2sf) =	vpush v6, $0x7;
	[tilespmem:$0x12680] =	vst v63  }
0x2d: {  	s28 =	spop (v2sf)  }
0x2e: {  	[tilespmem:s8], [sflag:$0x1] =	stream.strided.gather [hbm4b:s28+s6], $0x2000, s7, s6, $0x38;
	[tilespmem:$0x12680] =	vst v63  }
0x2f: {  	s29 =	spop (v2sf)  }
0x30: {  	[tilespmem:s9], [sflag:$0x2] =	stream.strided.gather [hbm4b:s29+s6], $0x2000, s7, s6, $0x38;
	[tilespmem:$0x12680] =	vst v63  }
0x31: {  	s30 =	spop (v2sf)  }
0x32: {  	[tilespmem:s10], [sflag:$0x3] =	stream.strided.gather [hbm4b:s30+s6], $0x2000, s7, s6, $0x38;
	[tilespmem:$0x12680] =	vst v63  }
0x33: {  	s31 =	spop (v2sf)  }
0x34: {  	[tilespmem:s11], [sflag:$0x4] =	stream.strided.gather [hbm4b:s31+s6], $0x2000, s7, s6, $0x38;
	[tilespmem:$0x12680] =	vst v63  }
0x35: {  	s28 =	spop (v2sf)  }
0x36: {  	[tilespmem:s12], [sflag:$0x5] =	stream.strided.gather [hbm4b:s28+s6], $0x2000, s7, s6, $0x38;
	[tilespmem:$0x12680] =	vst v63  }
0x37: {  	s29 =	spop (v2sf)  }
0x38: {  	[tilespmem:s13], [sflag:$0x6] =	stream.strided.gather [hbm4b:s29+s6], $0x2000, s7, s6, $0x38;
	[tilespmem:$0x12680] =	vst v63  }
0x39: {  	v5 =	vsub.s32 v4, v5;
	s30 =	spop (v2sf)  }
0x3a: {  	vm14 =	vlt.s32 v5, $0x7F;
	[tilespmem:s14], [sflag:$0x7] =	stream.strided.gather [hbm4b:s30+s6], $0x2000, s7, s6, $0x38;
	[tilespmem:$0x12680] =	vst v63  }
0x3b: {  	v5 =	vnsel vm14, $0x7F, v5;
	s31 =	spop (v2sf)  }
0x3c: {  	v49 =	vbroadcast v5, $0x0;
	[tilespmem:s15], [sflag:$0x8] =	stream.strided.gather [hbm4b:s31+s6], $0x2000, s7, s6, $0x38;
	[tilespmem:$0x12680] =	vst v63  }
0x3d: {  	_ =	swait.ge [sflag:s16], $0x200  }
0x3e: {  	v7 =	vadd.s32 v0, v49;
	[sflag:s16] =	ssyncset.done $0x0  }
0x3f: {  	[sflag:s16] =	ssyncadd.s32 $0xFFFFFE00  }
0x40: {  	_ =	swait.ge [sflag:s17], $0x2000  }
0x41: {  	[sflag:s17] =	ssyncset.done $0x0  }
0x42: {  	[sflag:s17] =	ssyncadd.s32 $0xFFFFE000  }
0x43: {  	v7 =	vld.idx.msk [tilespmem:v7+s8+$0x0], $0xffff  }
0x44: {  	v8 =	vld [tilespmem:$0x12480];
	_ =	sdelay $0x2  }
0x45: {  	v9 =	vadd.s32 v1, v49;
	_ =	sdelay $0x1  }
0x46: {  	v7 =	vadd.f32 v8, v7;
	_ =	sdelay $0x1  }
0x47: {  	v50 =	vld [tilespmem:$0x12490];
	[tilespmem:$0x12080] =	vst v7  }
0x48: {  	v7 =	vld.idx.msk [tilespmem:v9+s8+$0x0], $0xffff;
	_ =	sdelay $0x2  }
0x49: {  	v51 =	vadd.s32 v2, v49;
	_ =	sdelay $0x1  }
0x4a: {  	v7 =	vadd.f32 v50, v7;
	_ =	sdelay $0x1  }
0x4b: {  	v52 =	vld [tilespmem:$0x124A0];
	[tilespmem:$0x12090] =	vst v7  }
0x4c: {  	v7 =	vld.idx.msk [tilespmem:v51+s8+$0x0], $0xffff;
	_ =	sdelay $0x2  }
0x4d: {  	v6 =	vadd.s32 v3, v49;
	_ =	sdelay $0x1  }
0x4e: {  	v7 =	vadd.f32 v52, v7;
	_ =	sdelay $0x1  }
0x4f: {  	v53 =	vld [tilespmem:$0x124B0];
	[tilespmem:$0x120A0] =	vst v7  }
0x50: {  	v6 =	vld.idx.msk [tilespmem:v6+s8+$0x0], $0xffff;
	_ =	sdelay $0x3  }
0x51: {  	v54 =	vbroadcast v5, $0x1  }
0x52: {  	v6 =	vadd.f32 v53, v6  }
0x53: {  	v55 =	vadd.s32 v0, v54  }
0x54: {  	[tilespmem:$0x120B0] =	vst v6  }
0x55: {  	_ =	swait.ge [sflag:s18], $0x2000  }
0x56: {  	[sflag:s18] =	ssyncset.done $0x0  }
0x57: {  	[sflag:s18] =	ssyncadd.s32 $0xFFFFE000  }
0x58: {  	v56 =	vld.idx.msk [tilespmem:v55+s9+$0x0], $0xffff  }
0x59: {  	v57 =	vld [tilespmem:$0x124C0];
	_ =	sdelay $0x2  }
0x5a: {  	v58 =	vadd.s32 v1, v54;
	_ =	sdelay $0x1  }
0x5b: {  	v6 =	vadd.f32 v57, v56;
	_ =	sdelay $0x1  }
0x5c: {  	v59 =	vld [tilespmem:$0x124D0];
	[tilespmem:$0x12100] =	vst v6  }
0x5d: {  	v6 =	vld.idx.msk [tilespmem:v58+s9+$0x0], $0xffff;
	_ =	sdelay $0x2  }
0x5e: {  	v60 =	vadd.s32 v2, v54;
	_ =	sdelay $0x1  }
0x5f: {  	v6 =	vadd.f32 v59, v6;
	_ =	sdelay $0x1  }
0x60: {  	v61 =	vld [tilespmem:$0x124E0];
	[tilespmem:$0x12110] =	vst v6  }
0x61: {  	v6 =	vld.idx.msk [tilespmem:v60+s9+$0x0], $0xffff;
	_ =	sdelay $0x2  }
0x62: {  	v8 =	vadd.s32 v3, v54;
	_ =	sdelay $0x1  }
0x63: {  	v6 =	vadd.f32 v61, v6;
	_ =	sdelay $0x1  }
0x64: {  	v62 =	vld [tilespmem:$0x124F0];
	[tilespmem:$0x12120] =	vst v6  }
0x65: {  	v6 =	vld.idx.msk [tilespmem:v8+s9+$0x0], $0xffff;
	_ =	sdelay $0x3  }
0x66: {  	v63 =	vbroadcast v5, $0x2  }
0x67: {  	v6 =	vadd.f32 v62, v6  }
0x68: {  	v12 =	vadd.s32 v0, v63  }
0x69: {  	[tilespmem:$0x12130] =	vst v6  }
0x6a: {  	_ =	swait.ge [sflag:s19], $0x2000  }
0x6b: {  	[sflag:s19] =	ssyncset.done $0x0  }
0x6c: {  	[sflag:s19] =	ssyncadd.s32 $0xFFFFE000  }
0x6d: {  	v13 =	vld.idx.msk [tilespmem:v12+s10+$0x0], $0xffff  }
0x6e: {  	v14 =	vld [tilespmem:$0x12500];
	_ =	sdelay $0x2  }
0x6f: {  	v15 =	vadd.s32 v1, v63;
	_ =	sdelay $0x1  }
0x70: {  	v6 =	vadd.f32 v14, v13;
	_ =	sdelay $0x1  }
0x71: {  	v16 =	vld [tilespmem:$0x12510];
	[tilespmem:$0x12180] =	vst v6  }
0x72: {  	v6 =	vld.idx.msk [tilespmem:v15+s10+$0x0], $0xffff;
	_ =	sdelay $0x2  }
0x73: {  	v17 =	vadd.s32 v2, v63;
	_ =	sdelay $0x1  }
0x74: {  	v6 =	vadd.f32 v16, v6;
	_ =	sdelay $0x1  }
0x75: {  	v18 =	vld [tilespmem:$0x12520];
	[tilespmem:$0x12190] =	vst v6  }
0x76: {  	v6 =	vld.idx.msk [tilespmem:v17+s10+$0x0], $0xffff;
	_ =	sdelay $0x2  }
0x77: {  	v8 =	vadd.s32 v3, v63;
	_ =	sdelay $0x1  }
0x78: {  	v6 =	vadd.f32 v18, v6;
	_ =	sdelay $0x1  }
0x79: {  	v19 =	vld [tilespmem:$0x12530];
	[tilespmem:$0x121A0] =	vst v6  }
0x7a: {  	v6 =	vld.idx.msk [tilespmem:v8+s10+$0x0], $0xffff;
	_ =	sdelay $0x3  }
0x7b: {  	v20 =	vbroadcast v5, $0x3  }
0x7c: {  	v6 =	vadd.f32 v19, v6  }
0x7d: {  	v21 =	vadd.s32 v0, v20  }
0x7e: {  	[tilespmem:$0x121B0] =	vst v6  }
0x7f: {  	_ =	swait.ge [sflag:s20], $0x2000  }
0x80: {  	[sflag:s20] =	ssyncset.done $0x0  }
0x81: {  	[sflag:s20] =	ssyncadd.s32 $0xFFFFE000  }
0x82: {  	v22 =	vld.idx.msk [tilespmem:v21+s11+$0x0], $0xffff  }
0x83: {  	v23 =	vld [tilespmem:$0x12540];
	_ =	sdelay $0x2  }
0x84: {  	v24 =	vadd.s32 v1, v20;
	_ =	sdelay $0x1  }
0x85: {  	v6 =	vadd.f32 v23, v22;
	_ =	sdelay $0x1  }
0x86: {  	v25 =	vld [tilespmem:$0x12550];
	[tilespmem:$0x12200] =	vst v6  }
0x87: {  	v6 =	vld.idx.msk [tilespmem:v24+s11+$0x0], $0xffff;
	_ =	sdelay $0x2  }
0x88: {  	v26 =	vadd.s32 v2, v20;
	_ =	sdelay $0x1  }
0x89: {  	v6 =	vadd.f32 v25, v6;
	_ =	sdelay $0x1  }
0x8a: {  	v27 =	vld [tilespmem:$0x12560];
	[tilespmem:$0x12210] =	vst v6  }
0x8b: {  	v6 =	vld.idx.msk [tilespmem:v26+s11+$0x0], $0xffff;
	_ =	sdelay $0x2  }
0x8c: {  	v8 =	vadd.s32 v3, v20;
	_ =	sdelay $0x1  }
0x8d: {  	v6 =	vadd.f32 v27, v6;
	_ =	sdelay $0x1  }
0x8e: {  	v28 =	vld [tilespmem:$0x12570];
	[tilespmem:$0x12220] =	vst v6  }
0x8f: {  	v6 =	vld.idx.msk [tilespmem:v8+s11+$0x0], $0xffff;
	_ =	sdelay $0x3  }
0x90: {  	v29 =	vbroadcast v5, $0x4  }
0x91: {  	v6 =	vadd.f32 v28, v6  }
0x92: {  	v30 =	vadd.s32 v0, v29  }
0x93: {  	[tilespmem:$0x12230] =	vst v6  }
0x94: {  	_ =	swait.ge [sflag:s21], $0x2000  }
0x95: {  	[sflag:s21] =	ssyncset.done $0x0  }
0x96: {  	[sflag:s21] =	ssyncadd.s32 $0xFFFFE000  }
0x97: {  	v31 =	vld.idx.msk [tilespmem:v30+s12+$0x0], $0xffff  }
0x98: {  	v32 =	vld [tilespmem:$0x12580];
	_ =	sdelay $0x2  }
0x99: {  	v33 =	vadd.s32 v1, v29;
	_ =	sdelay $0x1  }
0x9a: {  	v6 =	vadd.f32 v32, v31;
	_ =	sdelay $0x1  }
0x9b: {  	v34 =	vld [tilespmem:$0x12590];
	[tilespmem:$0x12280] =	vst v6  }
0x9c: {  	v6 =	vld.idx.msk [tilespmem:v33+s12+$0x0], $0xffff;
	_ =	sdelay $0x2  }
0x9d: {  	v35 =	vadd.s32 v2, v29;
	_ =	sdelay $0x1  }
0x9e: {  	v6 =	vadd.f32 v34, v6;
	_ =	sdelay $0x1  }
0x9f: {  	v36 =	vld [tilespmem:$0x125A0];
	[tilespmem:$0x12290] =	vst v6  }
0xa0: {  	v6 =	vld.idx.msk [tilespmem:v35+s12+$0x0], $0xffff;
	_ =	sdelay $0x2  }
0xa1: {  	v8 =	vadd.s32 v3, v29;
	_ =	sdelay $0x1  }
0xa2: {  	v6 =	vadd.f32 v36, v6;
	_ =	sdelay $0x1  }
0xa3: {  	v37 =	vld [tilespmem:$0x125B0];
	[tilespmem:$0x122A0] =	vst v6  }
0xa4: {  	v6 =	vld.idx.msk [tilespmem:v8+s12+$0x0], $0xffff;
	_ =	sdelay $0x3  }
0xa5: {  	v38 =	vbroadcast v5, $0x5  }
0xa6: {  	v6 =	vadd.f32 v37, v6  }
0xa7: {  	v39 =	vadd.s32 v0, v38  }
0xa8: {  	[tilespmem:$0x122B0] =	vst v6  }
0xa9: {  	_ =	swait.ge [sflag:s22], $0x2000  }
0xaa: {  	[sflag:s22] =	ssyncset.done $0x0  }
0xab: {  	[sflag:s22] =	ssyncadd.s32 $0xFFFFE000  }
0xac: {  	v40 =	vld.idx.msk [tilespmem:v39+s13+$0x0], $0xffff  }
0xad: {  	v41 =	vld [tilespmem:$0x125C0];
	_ =	sdelay $0x2  }
0xae: {  	v42 =	vadd.s32 v1, v38;
	_ =	sdelay $0x1  }
0xaf: {  	v6 =	vadd.f32 v41, v40;
	_ =	sdelay $0x1  }
0xb0: {  	v43 =	vld [tilespmem:$0x125D0];
	[tilespmem:$0x12300] =	vst v6  }
0xb1: {  	v6 =	vld.idx.msk [tilespmem:v42+s13+$0x0], $0xffff;
	_ =	sdelay $0x2  }
0xb2: {  	v44 =	vadd.s32 v2, v38;
	_ =	sdelay $0x1  }
0xb3: {  	v6 =	vadd.f32 v43, v6;
	_ =	sdelay $0x1  }
0xb4: {  	v45 =	vld [tilespmem:$0x125E0];
	[tilespmem:$0x12310] =	vst v6  }
0xb5: {  	v6 =	vld.idx.msk [tilespmem:v44+s13+$0x0], $0xffff;
	_ =	sdelay $0x2  }
0xb6: {  	v8 =	vadd.s32 v3, v38;
	_ =	sdelay $0x1  }
0xb7: {  	v6 =	vadd.f32 v45, v6;
	_ =	sdelay $0x1  }
0xb8: {  	v46 =	vld [tilespmem:$0x125F0];
	[tilespmem:$0x12320] =	vst v6  }
0xb9: {  	v6 =	vld.idx.msk [tilespmem:v8+s13+$0x0], $0xffff;
	_ =	sdelay $0x3  }
0xba: {  	v47 =	vbroadcast v5, $0x6  }
0xbb: {  	v6 =	vadd.f32 v46, v6  }
0xbc: {  	v48 =	vadd.s32 v0, v47  }
0xbd: {  	[tilespmem:$0x12330] =	vst v6  }
0xbe: {  	_ =	swait.ge [sflag:s23], $0x2000  }
0xbf: {  	[sflag:s23] =	ssyncset.done $0x0  }
0xc0: {  	[sflag:s23] =	ssyncadd.s32 $0xFFFFE000  }
0xc1: {  	v49 =	vld.idx.msk [tilespmem:v48+s14+$0x0], $0xffff  }
0xc2: {  	v50 =	vld [tilespmem:$0x12600];
	_ =	sdelay $0x2  }
0xc3: {  	v51 =	vadd.s32 v1, v47;
	_ =	sdelay $0x1  }
0xc4: {  	v6 =	vadd.f32 v50, v49;
	_ =	sdelay $0x1  }
0xc5: {  	v52 =	vld [tilespmem:$0x12610];
	[tilespmem:$0x12380] =	vst v6  }
0xc6: {  	v6 =	vld.idx.msk [tilespmem:v51+s14+$0x0], $0xffff;
	_ =	sdelay $0x2  }
0xc7: {  	v53 =	vadd.s32 v2, v47;
	_ =	sdelay $0x1  }
0xc8: {  	v6 =	vadd.f32 v52, v6;
	_ =	sdelay $0x1  }
0xc9: {  	v54 =	vld [tilespmem:$0x12620];
	[tilespmem:$0x12390] =	vst v6  }
0xca: {  	v6 =	vld.idx.msk [tilespmem:v53+s14+$0x0], $0xffff;
	_ =	sdelay $0x2  }
0xcb: {  	v8 =	vadd.s32 v3, v47;
	_ =	sdelay $0x1  }
0xcc: {  	v6 =	vadd.f32 v54, v6;
	_ =	sdelay $0x1  }
0xcd: {  	v55 =	vld [tilespmem:$0x12630];
	[tilespmem:$0x123A0] =	vst v6  }
0xce: {  	v6 =	vld.idx.msk [tilespmem:v8+s14+$0x0], $0xffff;
	_ =	sdelay $0x3  }
0xcf: {  	v5 =	vbroadcast v5, $0x7  }
0xd0: {  	v6 =	vadd.f32 v55, v6  }
0xd1: {  	v56 =	vadd.s32 v0, v5  }
0xd2: {  	[tilespmem:$0x123B0] =	vst v6  }
0xd3: {  	_ =	swait.ge [sflag:s24], $0x2000  }
0xd4: {  	[sflag:s24] =	ssyncset.done $0x0  }
0xd5: {  	[sflag:s24] =	ssyncadd.s32 $0xFFFFE000  }
0xd6: {  	v57 =	vld.idx.msk [tilespmem:v56+s15+$0x0], $0xffff  }
0xd7: {  	v58 =	vld [tilespmem:$0x12640];
	_ =	sdelay $0x2  }
0xd8: {  	v59 =	vadd.s32 v1, v5;
	_ =	sdelay $0x1  }
0xd9: {  	v6 =	vadd.f32 v58, v57;
	_ =	sdelay $0x1  }
0xda: {  	v60 =	vld [tilespmem:$0x12650];
	[tilespmem:$0x12400] =	vst v6  }
0xdb: {  	v6 =	vld.idx.msk [tilespmem:v59+s15+$0x0], $0xffff;
	_ =	sdelay $0x2  }
0xdc: {  	v61 =	vadd.s32 v2, v5;
	_ =	sdelay $0x1  }
0xdd: {  	v6 =	vadd.f32 v60, v6;
	_ =	sdelay $0x1  }
0xde: {  	v62 =	vld [tilespmem:$0x12660];
	[tilespmem:$0x12410] =	vst v6  }
0xdf: {  	v6 =	vld.idx.msk [tilespmem:v61+s15+$0x0], $0xffff;
	_ =	sdelay $0x2  }
0xe0: {  	v5 =	vadd.s32 v3, v5;
	_ =	sdelay $0x1  }
0xe1: {  	v6 =	vadd.f32 v62, v6;
	_ =	sdelay $0x1  }
0xe2: {  	v63 =	vld [tilespmem:$0x12670];
	[tilespmem:$0x12420] =	vst v6  }
0xe3: {  	v5 =	vld.idx.msk [tilespmem:v5+s15+$0x0], $0xffff;
	_ =	sdelay $0x4  }
0xe4: {  	v5 =	vadd.f32 v63, v5;
	_ =	sdelay $0x1  }
0xe5: {  	[tilespmem:$0x12430] =	vst v5  }
0xe6: {  	_ =	swait.ge [sflag:s25], $0x2000  }
0xe7: {  	(v2sf) =	vpush v4, $0x0;
	_ =	sdelay $0xd  }
0xe8: {  	v5 =	vadd.s32 $0xFFF0BE00, v4  }
0xe9: {  	vm15 =	vgt.s32 v5, $0x0;
	s28 =	spop (v2sf)  }
0xea: {  	v5 =	vnsel vm15, $0x0, v5;
	p0 =	slt.s32 s28, $0xF4200  }
0xeb: {  	v5 =	vmin.u32 v5, $0x3F;
	v6 =	vlaneseq.u32 @!p0  }
0xec: {  	v7 =	vbroadcast @!p0 v5, $0x0;
	v6 =	vmul.u32 @!p0 $0x80, v6;
	_ =	sdelay $0x1  }
0xed: {  	v8 =	vor.u32 @!p0 v6, v7;
	_ =	sdelay $0x1  }
0xee: {  	[sflag:s25] =	ssyncset.done $0x0  }
0xef: {  	[sflag:s25] =	ssyncadd.s32 $0xFFFFE000  }
0xf0: {  	s26 =	simm.s32 @!p0 $0x10080;
	v9 =	vld @!p0 [tilespmem:$0x12480]  }
0xf1: {  	v8 =	vld.idx.msk @!p0 [tilespmem:v8+s26+$0x0], $0xffff;
	_ =	sdelay $0x1  }
0xf2: {  	v10 =	vor.u32 @!p0 $0x800, v6  }
0xf3: {  	v10 =	vor.u32 @!p0 v10, v7;
	_ =	sdelay $0x1  }
0xf4: {  	v8 =	vadd.f32 @!p0 v9, v8;
	_ =	sdelay $0x1  }
0xf5: {  	(v2sf) =	vpush v4, $0x1;
	v9 =	vld @!p0 [tilespmem:$0x12490];
	[tilespmem:$0x12080] =	vst @!p0 v8  }
0xf6: {  	v8 =	vld.idx.msk @!p0 [tilespmem:v10+s26+$0x0], $0xffff;
	_ =	sdelay $0x1  }
0xf7: {  	v10 =	vor.u32 @!p0 $0x1000, v6  }
0xf8: {  	v10 =	vor.u32 @!p0 v10, v7;
	_ =	sdelay $0x1  }
0xf9: {  	v8 =	vadd.f32 @!p0 v9, v8;
	_ =	sdelay $0x1  }
0xfa: {  	v9 =	vld @!p0 [tilespmem:$0x124A0];
	[tilespmem:$0x12090] =	vst @!p0 v8  }
0xfb: {  	v8 =	vld.idx.msk @!p0 [tilespmem:v10+s26+$0x0], $0xffff;
	_ =	sdelay $0x1  }
0xfc: {  	v6 =	vor.u32 @!p0 $0x1800, v6  }
0xfd: {  	v6 =	vor.u32 @!p0 v6, v7;
	_ =	sdelay $0x1  }
0xfe: {  	v7 =	vadd.f32 @!p0 v9, v8  }
0xff: {  	s29 =	spop (v2sf)  }
0x100: {  	p1 =	slt.s32 s29, $0xF4200;
	[tilespmem:$0x120A0] =	vst @!p0 v7;
	v7 =	vld @!p0 [tilespmem:$0x124B0]  }
0x101: {  	v8 =	vlaneseq.u32 @!p1;
	v6 =	vld.idx.msk @!p0 [tilespmem:v6+s26+$0x0], $0xffff  }
0x102: {  	v9 =	vbroadcast @!p1 v5, $0x1;
	v8 =	vmul.u32 @!p1 $0x80, v8;
	_ =	sdelay $0x1  }
0x103: {  	v10 =	vor.u32 @!p1 v8, v9;
	_ =	sdelay $0x1  }
0x104: {  	v6 =	vadd.f32 @!p0 v7, v6;
	_ =	sdelay $0x1  }
0x105: {  	s26 =	simm.s32 @!p1 $0x10080;
	v7 =	vld @!p1 [tilespmem:$0x124C0];
	[tilespmem:$0x120B0] =	vst @!p0 v6  }
0x106: {  	v6 =	vld.idx.msk @!p1 [tilespmem:v10+s26+$0x0], $0xffff;
	_ =	sdelay $0x1  }
0x107: {  	v10 =	vor.u32 @!p1 $0x800, v8  }
0x108: {  	v10 =	vor.u32 @!p1 v10, v9;
	_ =	sdelay $0x1  }
0x109: {  	v6 =	vadd.f32 @!p1 v7, v6;
	_ =	sdelay $0x1  }
0x10a: {  	(v2sf) =	vpush v4, $0x2;
	v7 =	vld @!p1 [tilespmem:$0x124D0];
	[tilespmem:$0x12100] =	vst @!p1 v6  }
0x10b: {  	v6 =	vld.idx.msk @!p1 [tilespmem:v10+s26+$0x0], $0xffff;
	_ =	sdelay $0x1  }
0x10c: {  	v10 =	vor.u32 @!p1 $0x1000, v8  }
0x10d: {  	v10 =	vor.u32 @!p1 v10, v9;
	_ =	sdelay $0x1  }
0x10e: {  	v6 =	vadd.f32 @!p1 v7, v6;
	_ =	sdelay $0x1  }
0x10f: {  	v7 =	vld @!p1 [tilespmem:$0x124E0];
	[tilespmem:$0x12110] =	vst @!p1 v6  }
0x110: {  	v6 =	vld.idx.msk @!p1 [tilespmem:v10+s26+$0x0], $0xffff;
	_ =	sdelay $0x1  }
0x111: {  	v8 =	vor.u32 @!p1 $0x1800, v8  }
0x112: {  	v8 =	vor.u32 @!p1 v8, v9;
	_ =	sdelay $0x1  }
0x113: {  	v6 =	vadd.f32 @!p1 v7, v6  }
0x114: {  	s30 =	spop (v2sf)  }
0x115: {  	p0 =	slt.s32 s30, $0xF4200;
	v7 =	vld @!p1 [tilespmem:$0x124F0];
	[tilespmem:$0x12120] =	vst @!p1 v6  }
0x116: {  	v6 =	vld.idx.msk @!p1 [tilespmem:v8+s26+$0x0], $0xffff;
	v8 =	vlaneseq.u32 @!p0  }
0x117: {  	v9 =	vbroadcast @!p0 v5, $0x2;
	v8 =	vmul.u32 @!p0 $0x80, v8;
	_ =	sdelay $0x1  }
0x118: {  	v10 =	vor.u32 @!p0 v8, v9;
	_ =	sdelay $0x1  }
0x119: {  	v6 =	vadd.f32 @!p1 v7, v6;
	_ =	sdelay $0x1  }
0x11a: {  	s26 =	simm.s32 @!p0 $0x10080;
	v7 =	vld @!p0 [tilespmem:$0x12500];
	[tilespmem:$0x12130] =	vst @!p1 v6  }
0x11b: {  	v6 =	vld.idx.msk @!p0 [tilespmem:v10+s26+$0x0], $0xffff;
	_ =	sdelay $0x1  }
0x11c: {  	v10 =	vor.u32 @!p0 $0x800, v8  }
0x11d: {  	v10 =	vor.u32 @!p0 v10, v9;
	_ =	sdelay $0x1  }
0x11e: {  	v6 =	vadd.f32 @!p0 v7, v6;
	_ =	sdelay $0x1  }
0x11f: {  	(v2sf) =	vpush v4, $0x3;
	v7 =	vld @!p0 [tilespmem:$0x12510];
	[tilespmem:$0x12180] =	vst @!p0 v6  }
0x120: {  	v6 =	vld.idx.msk @!p0 [tilespmem:v10+s26+$0x0], $0xffff;
	_ =	sdelay $0x1  }
0x121: {  	v10 =	vor.u32 @!p0 $0x1000, v8  }
0x122: {  	v10 =	vor.u32 @!p0 v10, v9;
	_ =	sdelay $0x1  }
0x123: {  	v6 =	vadd.f32 @!p0 v7, v6;
	_ =	sdelay $0x1  }
0x124: {  	v7 =	vld @!p0 [tilespmem:$0x12520];
	[tilespmem:$0x12190] =	vst @!p0 v6  }
0x125: {  	v6 =	vld.idx.msk @!p0 [tilespmem:v10+s26+$0x0], $0xffff;
	_ =	sdelay $0x1  }
0x126: {  	v8 =	vor.u32 @!p0 $0x1800, v8  }
0x127: {  	v8 =	vor.u32 @!p0 v8, v9;
	_ =	sdelay $0x1  }
0x128: {  	v6 =	vadd.f32 @!p0 v7, v6  }
0x129: {  	s31 =	spop (v2sf)  }
0x12a: {  	p1 =	slt.s32 s31, $0xF4200;
	v7 =	vld @!p0 [tilespmem:$0x12530];
	[tilespmem:$0x121A0] =	vst @!p0 v6  }
0x12b: {  	v6 =	vld.idx.msk @!p0 [tilespmem:v8+s26+$0x0], $0xffff;
	v8 =	vlaneseq.u32 @!p1  }
0x12c: {  	v9 =	vbroadcast @!p1 v5, $0x3;
	v8 =	vmul.u32 @!p1 $0x80, v8;
	_ =	sdelay $0x1  }
0x12d: {  	v10 =	vor.u32 @!p1 v8, v9;
	_ =	sdelay $0x1  }
0x12e: {  	v6 =	vadd.f32 @!p0 v7, v6;
	_ =	sdelay $0x1  }
0x12f: {  	s26 =	simm.s32 @!p1 $0x10080;
	v7 =	vld @!p1 [tilespmem:$0x12540];
	[tilespmem:$0x121B0] =	vst @!p0 v6  }
0x130: {  	v6 =	vld.idx.msk @!p1 [tilespmem:v10+s26+$0x0], $0xffff;
	_ =	sdelay $0x1  }
0x131: {  	v10 =	vor.u32 @!p1 $0x800, v8  }
0x132: {  	v10 =	vor.u32 @!p1 v10, v9;
	_ =	sdelay $0x1  }
0x133: {  	v6 =	vadd.f32 @!p1 v7, v6;
	_ =	sdelay $0x1  }
0x134: {  	(v2sf) =	vpush v4, $0x4;
	v7 =	vld @!p1 [tilespmem:$0x12550];
	[tilespmem:$0x12200] =	vst @!p1 v6  }
0x135: {  	v6 =	vld.idx.msk @!p1 [tilespmem:v10+s26+$0x0], $0xffff;
	_ =	sdelay $0x1  }
0x136: {  	v10 =	vor.u32 @!p1 $0x1000, v8  }
0x137: {  	v10 =	vor.u32 @!p1 v10, v9;
	_ =	sdelay $0x1  }
0x138: {  	v6 =	vadd.f32 @!p1 v7, v6;
	_ =	sdelay $0x1  }
0x139: {  	v7 =	vld @!p1 [tilespmem:$0x12560];
	[tilespmem:$0x12210] =	vst @!p1 v6  }
0x13a: {  	v6 =	vld.idx.msk @!p1 [tilespmem:v10+s26+$0x0], $0xffff;
	_ =	sdelay $0x1  }
0x13b: {  	v8 =	vor.u32 @!p1 $0x1800, v8  }
0x13c: {  	v8 =	vor.u32 @!p1 v8, v9;
	_ =	sdelay $0x1  }
0x13d: {  	v6 =	vadd.f32 @!p1 v7, v6  }
0x13e: {  	s29 =	spop (v2sf)  }
0x13f: {  	p0 =	slt.s32 s29, $0xF4200;
	v7 =	vld @!p1 [tilespmem:$0x12570];
	[tilespmem:$0x12220] =	vst @!p1 v6  }
0x140: {  	v6 =	vld.idx.msk @!p1 [tilespmem:v8+s26+$0x0], $0xffff;
	v8 =	vlaneseq.u32 @!p0  }
0x141: {  	v9 =	vbroadcast @!p0 v5, $0x4;
	v8 =	vmul.u32 @!p0 $0x80, v8;
	_ =	sdelay $0x1  }
0x142: {  	v10 =	vor.u32 @!p0 v8, v9;
	_ =	sdelay $0x1  }
0x143: {  	v6 =	vadd.f32 @!p1 v7, v6;
	_ =	sdelay $0x1  }
0x144: {  	s26 =	simm.s32 @!p0 $0x10080;
	v7 =	vld @!p0 [tilespmem:$0x12580];
	[tilespmem:$0x12230] =	vst @!p1 v6  }
0x145: {  	v6 =	vld.idx.msk @!p0 [tilespmem:v10+s26+$0x0], $0xffff;
	_ =	sdelay $0x1  }
0x146: {  	v10 =	vor.u32 @!p0 $0x800, v8  }
0x147: {  	v10 =	vor.u32 @!p0 v10, v9;
	_ =	sdelay $0x1  }
0x148: {  	v6 =	vadd.f32 @!p0 v7, v6;
	_ =	sdelay $0x1  }
0x149: {  	(v2sf) =	vpush v4, $0x5;
	v7 =	vld @!p0 [tilespmem:$0x12590];
	[tilespmem:$0x12280] =	vst @!p0 v6  }
0x14a: {  	v6 =	vld.idx.msk @!p0 [tilespmem:v10+s26+$0x0], $0xffff;
	_ =	sdelay $0x1  }
0x14b: {  	v10 =	vor.u32 @!p0 $0x1000, v8  }
0x14c: {  	v10 =	vor.u32 @!p0 v10, v9;
	_ =	sdelay $0x1  }
0x14d: {  	v6 =	vadd.f32 @!p0 v7, v6;
	_ =	sdelay $0x1  }
0x14e: {  	v7 =	vld @!p0 [tilespmem:$0x125A0];
	[tilespmem:$0x12290] =	vst @!p0 v6  }
0x14f: {  	v6 =	vld.idx.msk @!p0 [tilespmem:v10+s26+$0x0], $0xffff;
	_ =	sdelay $0x1  }
0x150: {  	v8 =	vor.u32 @!p0 $0x1800, v8  }
0x151: {  	v8 =	vor.u32 @!p0 v8, v9;
	_ =	sdelay $0x1  }
0x152: {  	v6 =	vadd.f32 @!p0 v7, v6  }
0x153: {  	s30 =	spop (v2sf)  }
0x154: {  	p1 =	slt.s32 s30, $0xF4200;
	v7 =	vld @!p0 [tilespmem:$0x125B0];
	[tilespmem:$0x122A0] =	vst @!p0 v6  }
0x155: {  	v6 =	vld.idx.msk @!p0 [tilespmem:v8+s26+$0x0], $0xffff;
	v8 =	vlaneseq.u32 @!p1  }
0x156: {  	v9 =	vbroadcast @!p1 v5, $0x5;
	v8 =	vmul.u32 @!p1 $0x80, v8;
	_ =	sdelay $0x1  }
0x157: {  	v10 =	vor.u32 @!p1 v8, v9;
	_ =	sdelay $0x1  }
0x158: {  	v6 =	vadd.f32 @!p0 v7, v6;
	_ =	sdelay $0x1  }
0x159: {  	s26 =	simm.s32 @!p1 $0x10080;
	v7 =	vld @!p1 [tilespmem:$0x125C0];
	[tilespmem:$0x122B0] =	vst @!p0 v6  }
0x15a: {  	v6 =	vld.idx.msk @!p1 [tilespmem:v10+s26+$0x0], $0xffff;
	_ =	sdelay $0x1  }
0x15b: {  	v10 =	vor.u32 @!p1 $0x800, v8  }
0x15c: {  	v10 =	vor.u32 @!p1 v10, v9;
	_ =	sdelay $0x1  }
0x15d: {  	v6 =	vadd.f32 @!p1 v7, v6;
	_ =	sdelay $0x1  }
0x15e: {  	(v2sf) =	vpush v4, $0x6;
	v7 =	vld @!p1 [tilespmem:$0x125D0];
	[tilespmem:$0x12300] =	vst @!p1 v6  }
0x15f: {  	v6 =	vld.idx.msk @!p1 [tilespmem:v10+s26+$0x0], $0xffff;
	_ =	sdelay $0x1  }
0x160: {  	v10 =	vor.u32 @!p1 $0x1000, v8  }
0x161: {  	v10 =	vor.u32 @!p1 v10, v9;
	_ =	sdelay $0x1  }
0x162: {  	v6 =	vadd.f32 @!p1 v7, v6;
	_ =	sdelay $0x1  }
0x163: {  	v7 =	vld @!p1 [tilespmem:$0x125E0];
	[tilespmem:$0x12310] =	vst @!p1 v6  }
0x164: {  	v6 =	vld.idx.msk @!p1 [tilespmem:v10+s26+$0x0], $0xffff;
	_ =	sdelay $0x1  }
0x165: {  	v8 =	vor.u32 @!p1 $0x1800, v8  }
0x166: {  	v8 =	vor.u32 @!p1 v8, v9;
	_ =	sdelay $0x1  }
0x167: {  	v6 =	vadd.f32 @!p1 v7, v6  }
0x168: {  	s31 =	spop (v2sf)  }
0x169: {  	p0 =	slt.s32 s31, $0xF4200;
	v7 =	vld @!p1 [tilespmem:$0x125F0];
	[tilespmem:$0x12320] =	vst @!p1 v6  }
0x16a: {  	v6 =	vld.idx.msk @!p1 [tilespmem:v8+s26+$0x0], $0xffff;
	v8 =	vlaneseq.u32 @!p0  }
0x16b: {  	v9 =	vbroadcast @!p0 v5, $0x6;
	v8 =	vmul.u32 @!p0 $0x80, v8;
	_ =	sdelay $0x1  }
0x16c: {  	v10 =	vor.u32 @!p0 v8, v9;
	_ =	sdelay $0x1  }
0x16d: {  	v6 =	vadd.f32 @!p1 v7, v6;
	_ =	sdelay $0x1  }
0x16e: {  	s26 =	simm.s32 @!p0 $0x10080;
	v7 =	vld @!p0 [tilespmem:$0x12600];
	[tilespmem:$0x12330] =	vst @!p1 v6  }
0x16f: {  	v6 =	vld.idx.msk @!p0 [tilespmem:v10+s26+$0x0], $0xffff;
	_ =	sdelay $0x1  }
0x170: {  	v10 =	vor.u32 @!p0 $0x800, v8  }
0x171: {  	v10 =	vor.u32 @!p0 v10, v9;
	_ =	sdelay $0x1  }
0x172: {  	v6 =	vadd.f32 @!p0 v7, v6;
	_ =	sdelay $0x1  }
0x173: {  	(v2sf) =	vpush v4, $0x7;
	v7 =	vld @!p0 [tilespmem:$0x12610];
	[tilespmem:$0x12380] =	vst @!p0 v6  }
0x174: {  	v6 =	vld.idx.msk @!p0 [tilespmem:v10+s26+$0x0], $0xffff;
	_ =	sdelay $0x1  }
0x175: {  	v4 =	vor.u32 @!p0 $0x1000, v8  }
0x176: {  	v4 =	vor.u32 @!p0 v4, v9;
	_ =	sdelay $0x1  }
0x177: {  	v6 =	vadd.f32 @!p0 v7, v6;
	_ =	sdelay $0x1  }
0x178: {  	[tilespmem:$0x12390] =	vst @!p0 v6;
	v6 =	vld @!p0 [tilespmem:$0x12620]  }
0x179: {  	v4 =	vld.idx.msk @!p0 [tilespmem:v4+s26+$0x0], $0xffff;
	_ =	sdelay $0x1  }
0x17a: {  	v7 =	vor.u32 @!p0 $0x1800, v8  }
0x17b: {  	v7 =	vor.u32 @!p0 v7, v9;
	_ =	sdelay $0x1  }
0x17c: {  	v4 =	vadd.f32 @!p0 v6, v4  }
0x17d: {  	s29 =	spop (v2sf)  }
0x17e: {  	p1 =	slt.s32 s29, $0xF4200;
	v6 =	vld @!p0 [tilespmem:$0x12630];
	[tilespmem:$0x123A0] =	vst @!p0 v4  }
0x17f: {  	v4 =	vld.idx.msk @!p0 [tilespmem:v7+s26+$0x0], $0xffff;
	v7 =	vlaneseq.u32 @!p1  }
0x180: {  	v5 =	vbroadcast @!p1 v5, $0x7;
	v7 =	vmul.u32 @!p1 $0x80, v7;
	_ =	sdelay $0x1  }
0x181: {  	v8 =	vor.u32 @!p1 v7, v5;
	_ =	sdelay $0x1  }
0x182: {  	v4 =	vadd.f32 @!p0 v6, v4;
	_ =	sdelay $0x1  }
0x183: {  	s26 =	simm.s32 @!p1 $0x10080;
	v6 =	vld @!p1 [tilespmem:$0x12640];
	[tilespmem:$0x123B0] =	vst @!p0 v4  }
0x184: {  	v4 =	vld.idx.msk @!p1 [tilespmem:v8+s26+$0x0], $0xffff;
	_ =	sdelay $0x1  }
0x185: {  	v8 =	vor.u32 @!p1 $0x800, v7  }
0x186: {  	v8 =	vor.u32 @!p1 v8, v5;
	_ =	sdelay $0x1  }
0x187: {  	v4 =	vadd.f32 @!p1 v6, v4;
	_ =	sdelay $0x1  }
0x188: {  	v6 =	vld @!p1 [tilespmem:$0x12650];
	[tilespmem:$0x12400] =	vst @!p1 v4  }
0x189: {  	v4 =	vld.idx.msk @!p1 [tilespmem:v8+s26+$0x0], $0xffff;
	_ =	sdelay $0x1  }
0x18a: {  	v8 =	vor.u32 @!p1 $0x1000, v7  }
0x18b: {  	v8 =	vor.u32 @!p1 v8, v5;
	_ =	sdelay $0x1  }
0x18c: {  	v4 =	vadd.f32 @!p1 v6, v4;
	_ =	sdelay $0x1  }
0x18d: {  	v6 =	vld @!p1 [tilespmem:$0x12660];
	[tilespmem:$0x12410] =	vst @!p1 v4  }
0x18e: {  	v4 =	vld.idx.msk @!p1 [tilespmem:v8+s26+$0x0], $0xffff;
	_ =	sdelay $0x1  }
0x18f: {  	v7 =	vor.u32 @!p1 $0x1800, v7  }
0x190: {  	v5 =	vor.u32 @!p1 v7, v5;
	_ =	sdelay $0x1  }
0x191: {  	v4 =	vadd.f32 @!p1 v6, v4;
	_ =	sdelay $0x1  }
0x192: {  	[tilespmem:$0x12420] =	vst @!p1 v4  }
0x193: {  	v4 =	vld.idx.msk @!p1 [tilespmem:v5+s26+$0x0], $0xffff  }
0x194: {  	v5 =	vld @!p1 [tilespmem:$0x12670];
	_ =	sdelay $0x4  }
0x195: {  	s4 =	sadd.s32 $0xFFFFFFFF, s4;
	v4 =	vadd.f32 @!p1 v5, v4  }
0x196: {  	s30 =	rddreg [dreg:$0x7];
	p0 =	sne.s32 s4, $0x0  }
.Ltmp1:
0x197: {  	s31 =	rddreg [dreg:$0xb];
	[tilespmem:$0x12430] =	vst @!p1 v4;
	(pc) =	sbr.rel @p0 .LBB2_2-.Ltmp1, $4  }
0x198: {  	[hbm4b:s30+s3] =	stream.linear.scatter [tilespmem:s31], [sflag:$0xB], $0x400, $0x38;
	[tilespmem:$0x12680] =	vst v63  }
0x199: {  	_ =	swait.ge [sflag:s5], $0x400  }
0x19a: {  	[sflag:s5] =	ssyncset.done $0x0  }
0x19b: {  	[sflag:s5] =	ssyncadd.s32 $0xFFFFFC00  }
.LBB2_3:
0x19c: {  	_ =	sfence.sel $0x180000  }
0x19d: {  	[bflag:$0x0] =	sbarrier.arrive $0xFFFF  }
0x19e: {  	p0 =	sne.s32 s0, $0x0;
	_ =	strace $0x90000047  }
0x19f: {  	s0 =	sadd.s32 @!p0 $0x100000, s2;
	[bflag:$0x2] =	sbarrier.arrive $0xFFFF  }
0x1a0: {  	[sflag:s0] =	ssyncadd.tile.s32 @!p0 $0x1;
	_ =	shalt  }
.Lfunc_end2:
_tile_overlayer_lowered:
.L_overlay_start_2:
0x1a1: {  	(tag) =	ssettag $0x2  }
0x1a2: {  	s0 =	rddreg [dreg:$0x0];
	s2 =	stileid.u32  }
0x1a3: {  	s1 =	rddreg [dreg:$0x1];
	p0 =	sne.s32 s2, $0x0  }
0x1a4: {  	s3 =	rddreg [dreg:$0x2];
	[bflag:$0x3] =	sbarrier.arrive $0xFFFF;
	s2 =	simm.s32 @!p0 $0x1C0B  }
0x1a5: {  	[timem:s3], [sflag:s2] =	dma.local @!p0 [hbm:s0], s1  }
0x1a6: {  	s0 =	simm.s32 @!p0 $0xB  }
0x1a7: {  	_ =	swait.ge @!p0 [sflag:s0], s1  }
0x1a8: {  	s1 =	ssub.s32 @!p0 $0x0, s1;
	[sflag:s0] =	ssyncset.done @!p0 $0x0  }
0x1a9: {  	[sflag:s0] =	ssyncadd.s32 @!p0 s1  }
0x1aa: {  	[bflag:$0x3] =	sbarrier.arrive $0xFFFF  }
0x1ab: {  	_ =	shalt  }

</sc_bundles>
